<compile_context>
chip_gen: v7x
topology: tpu7x:2x2x1
jax: 0.10.2.dev20260603
libtpu: 0.0.44.dev20260713+nightly
codegen_flags: <defaults>
</compile_context>

<pallas_src>
import functools

import jax
import jax.numpy as jnp
from jax import lax
from jax.experimental import pallas as pl
from jax.experimental.pallas import tpu as pltpu
from jax.experimental.pallas import tpu_sc as plsc

SQRT_2 = 1.414213
_B, _M, _N, _D = 4, 2048, 2048, 256


def _score(x):
    return 1.0 / (1.0 + SQRT_2 * jnp.sqrt(jnp.clip(1.0 - x, 1e-6, None)))


def _tc_body(d0_ref, d1_ref, nidx_ref, rsc_ref, midx_ref, csc_ref):
    b = pl.program_id(0)
    d0b = d0_ref[0].astype(jnp.bfloat16)
    d1b = d1_ref[0].astype(jnp.bfloat16)
    s = lax.dot_general(
        d0b, d1b,
        dimension_numbers=(((1,), (1,)), ((), ())),
        preferred_element_type=jnp.float32)
    t = lax.dot_general(
        d1b, d0b,
        dimension_numbers=(((1,), (1,)), ((), ())),
        preferred_element_type=jnp.float32)

    nidx_ref[...] = (jnp.argmax(t, axis=0).astype(jnp.int32)
                     + b * _N).reshape(_M // 128, 128)
    rsc_ref[...] = _score(jnp.max(t, axis=0)).reshape(_M // 128, 128)
    midx_ref[...] = (jnp.argmax(s, axis=0).astype(jnp.int32)
                     + b * _M).reshape(_N // 128, 128)
    csc_ref[...] = _score(jnp.max(s, axis=0)).reshape(_N // 128, 128)


def _tc_call(d0, d1):
    full = pl.BlockSpec((1, _M, _D), lambda b: (b, 0, 0))
    out = pl.BlockSpec((_M // 128, 128), lambda b: (b, 0))
    return pl.pallas_call(
        _tc_body,
        grid=(_B,),
        in_specs=[full, full],
        out_specs=[out, out, out, out],
        out_shape=[
            jax.ShapeDtypeStruct((_B * _M // 128, 128), jnp.int32),
            jax.ShapeDtypeStruct((_B * _M // 128, 128), jnp.float32),
            jax.ShapeDtypeStruct((_B * _N // 128, 128), jnp.int32),
            jax.ShapeDtypeStruct((_B * _N // 128, 128), jnp.float32),
        ],
    )(d0, d1)


_NC, _NS = 2, 16
_NW = _NC * _NS
_CH = _B * _M // _NW
_TPB = _M // _CH
_CHR = _CH // 128
_ROWS = _B * _M // 128


def _sc_post(na_g, ma_g):
    mesh = plsc.VectorSubcoreMesh(core_axis_name="c", subcore_axis_name="s")

    buf_i = pltpu.VMEM((_CH,), jnp.int32)
    buf_f = pltpu.VMEM((_CH,), jnp.float32)

    @functools.partial(
        pl.kernel,
        mesh=mesh,
        out_type=[
            jax.ShapeDtypeStruct((_B * _M,), jnp.int32),
            jax.ShapeDtypeStruct((_B * _N,), jnp.int32),
        ],
        scratch_types=[
            buf_i, buf_i,
            buf_i, buf_i,
            buf_i, buf_i,
            pltpu.SemaphoreType.DMA,
            pltpu.SemaphoreType.DMA,
            pltpu.SemaphoreType.DMA,
        ],
    )
    def _body(na_hbm, ma_hbm, m0_hbm, m1_hbm,
              idx0_v, idx1_v, gat0_v, gat1_v,
              om0_v, om1_v, sem_i, sem_g, sem_o):
        wid = lax.axis_index("s") * _NC + lax.axis_index("c")
        base = wid * _CH
        b = wid // _TPB
        boff = b * _M

        chunk = pl.ds(base, _CH)
        c_i0 = pltpu.async_copy(na_hbm.at[chunk], idx0_v, sem_i)
        c_i1 = pltpu.async_copy(ma_hbm.at[chunk], idx1_v, sem_i)
        c_i0.wait()
        g0 = []
        for r in range(_CHR):
            w = pl.ds(r * 128, 128)
            g0.append(pltpu.async_copy(
                ma_hbm.at[idx0_v.at[w]], gat0_v.at[w], sem_g))
        c_i1.wait()
        g1 = []
        for r in range(_CHR):
            w = pl.ds(r * 128, 128)
            g1.append(pltpu.async_copy(
                na_hbm.at[idx1_v.at[w]], gat1_v.at[w], sem_g))
        for g in g0 + g1:
            g.wait()

        neg16 = jnp.full((16,), -1, jnp.int32)
        for j in range(_CH // 16):
            sl = pl.ds(j * 16, 16)
            mine = lax.broadcasted_iota(jnp.int32, (16,), 0) + (
                base + j * 16)
            om0_v[sl] = jnp.where(gat0_v[sl] == mine, idx0_v[sl] - boff,
                                  neg16)
            om1_v[sl] = jnp.where(gat1_v[sl] == mine, idx1_v[sl] - boff,
                                  neg16)

        outs = [
            pltpu.async_copy(om0_v, m0_hbm.at[chunk], sem_o),
            pltpu.async_copy(om1_v, m1_hbm.at[chunk], sem_o),
        ]
        for o in outs:
            o.wait()

    return _body(na_g, ma_g)


def kernel(keypoints0, descriptors0, keypoints1, descriptors1):
    nidx, rsc, midx, csc = _tc_call(descriptors0, descriptors1)
    m0f, m1f = _sc_post(nidx.reshape(_B * _M), midx.reshape(_B * _N))
    m0 = m0f.reshape(_B, _M)
    m1 = m1f.reshape(_B, _N)
    ms0 = jnp.where(m0 >= 0, rsc.reshape(_B, _M), 0.0)
    ms1 = jnp.where(m1 >= 0, csc.reshape(_B, _N), 0.0)
    return (m0, m1, ms0, ms1)

# --- scband reference (transcript-rebuilt; emitter-appended) ---
"""Pipeline reference for scband-cycle-matcher-28363964023395 (READ-ONLY COPY).

The authoritative reference and input builder live on the scoring server;
editing this copy changes nothing except your own understanding.
"""

import jax, jax.numpy as jnp
import numpy as np

SQRT_2 = 1.414213


def _normalize(x):
    return x / jnp.linalg.norm(x, axis=-1, keepdims=True)


def setup_inputs(seed: int = 0) -> dict:
    key = jax.random.key(seed)
    k0, k1, k2, k3 = jax.random.split(key, 4)
    B, M, N, D = 4, 2048, 2048, 256
    keypoints0 = jax.random.normal(k0, (B, M, 2), dtype=jnp.float32)
    keypoints1 = jax.random.normal(k1, (B, N, 2), dtype=jnp.float32)
    descriptors0 = _normalize(jax.random.normal(k2, (B, M, D), dtype=jnp.float32))
    descriptors1 = _normalize(jax.random.normal(k3, (B, N, D), dtype=jnp.float32))
    return {"keypoints0": keypoints0, "descriptors0": descriptors0,
            "keypoints1": keypoints1, "descriptors1": descriptors1}


def distance_matrix(fs1, fs2):
    # assumes fs1, fs2 normalized
    return SQRT_2 * jnp.sqrt(jnp.clip(1.0 - fs1 @ fs2.T, 1e-06, None))


def reference(keypoints0, descriptors0, keypoints1, descriptors1):
    B, M, _ = keypoints0.shape
    N = keypoints1.shape[1]
    matches0_list, matches1_list = [], []
    mscores0_list, mscores1_list = [], []
    for k in range(B):
        dist_m = distance_matrix(descriptors0[k], descriptors1[k])
        n_amin = jnp.argmin(dist_m, axis=1)  # [M]
        m_amin = jnp.argmin(dist_m, axis=0)  # [N]
        n_ix = jnp.arange(M)
        mask = m_amin[n_amin] == n_ix
        safe_idx1 = jnp.where(mask, n_amin, N)  # out-of-bounds for non-matches
        m0_k = jnp.where(mask, n_amin, -1).astype(jnp.int32)
        m1_k = jnp.full((N,), -1, dtype=jnp.int32).at[safe_idx1].set(
            n_ix.astype(jnp.int32), mode="drop")
        d = jnp.take_along_axis(dist_m, n_amin[:, None], axis=1)[:, 0]
        score = 1.0 / (1.0 + d)
        ms0_k = jnp.where(mask, score, jnp.zeros((M,), dtype=jnp.float32))
        ms1_k = jnp.zeros((N,), dtype=jnp.float32).at[safe_idx1].set(
            score, mode="drop")
        matches0_list.append(m0_k)
        matches1_list.append(m1_k)
        mscores0_list.append(ms0_k)
        mscores1_list.append(ms1_k)
    matches0 = jnp.stack(matches0_list, axis=0)
    matches1 = jnp.stack(matches1_list, axis=0)
    matching_scores0 = jnp.stack(mscores0_list, axis=0)
    matching_scores1 = jnp.stack(mscores1_list, axis=0)
    return (matches0, matches1, matching_scores0, matching_scores1)

if __name__ == "__main__":
    import jax
    _d = setup_inputs()
    print(jax.jit(kernel)(*tuple(_d.values())))

</pallas_src>

<mosaic_0001>
#map = affine_map<(d0, d1) -> (0)>
module attributes {stable_mosaic.version = 14 : i64} {
  func.func @_body(%arg0: i32, %arg1: i32, %arg2: memref<8192xi32, #tpu.memory_space<hbm>>, %arg3: memref<8192xi32, #tpu.memory_space<hbm>>, %arg4: memref<8192xi32, #tpu.memory_space<hbm>>, %arg5: memref<8192xi32, #tpu.memory_space<hbm>>, %arg6: memref<256xi32, #tpu.memory_space<vmem>>, %arg7: memref<256xi32, #tpu.memory_space<vmem>>, %arg8: memref<256xi32, #tpu.memory_space<vmem>>, %arg9: memref<256xi32, #tpu.memory_space<vmem>>, %arg10: memref<256xi32, #tpu.memory_space<vmem>>, %arg11: memref<256xi32, #tpu.memory_space<vmem>>, %arg12: memref<!tpu.dma_semaphore, #tpu.memory_space<semaphore_mem>>, %arg13: memref<!tpu.dma_semaphore, #tpu.memory_space<semaphore_mem>>, %arg14: memref<!tpu.dma_semaphore, #tpu.memory_space<semaphore_mem>>) attributes {dimension_semantics = [#tpu.dimension_semantics<core_parallel>, #tpu.dimension_semantics<subcore_parallel>], iteration_bounds = array<i64: 2, 16>, scalar_prefetch = 0 : i64, scratch_operands = 9 : i64, tpu.core_type = #tpu.core_type<sc_vector_subcore>, window_params = [{transform_indices = #map}, {transform_indices = #map}, {transform_indices = #map}, {transform_indices = #map}]} {
    %mul3A = arith.constant 2 : i32
    %mul3A_0 = arith.muli %arg1, %mul3A : i32
    %add3A = arith.addi %mul3A_0, %arg0 : i32
    %mul3A_1 = arith.constant 256 : i32
    %mul3A_2 = arith.muli %add3A, %mul3A_1 : i32
    %jit3A = arith.constant 8 : i32
    %div3A = arith.divsi %add3A, %jit3A : i32
    %sign3A = arith.constant 0 : i32
    %sign3A_3 = arith.cmpi sgt, %add3A, %sign3A : i32
    %sign3A_4 = arith.extui %sign3A_3 : i1 to i32
    %sign3A_5 = arith.constant 0 : i32
    %sign3A_6 = arith.cmpi slt, %add3A, %sign3A_5 : i32
    %sign3A_7 = arith.extui %sign3A_6 : i1 to i32
    %sign3A_8 = arith.subi %sign3A_4, %sign3A_7 : i32
    %sign3A_9 = arith.constant 0 : i32
    %sign3A_10 = arith.cmpi sgt, %jit3A, %sign3A_9 : i32
    %sign3A_11 = arith.extui %sign3A_10 : i1 to i32
    %sign3A_12 = arith.constant 0 : i32
    %sign3A_13 = arith.cmpi slt, %jit3A, %sign3A_12 : i32
    %sign3A_14 = arith.extui %sign3A_13 : i1 to i32
    %sign3A_15 = arith.subi %sign3A_11, %sign3A_14 : i32
    %ne3A = arith.cmpi ne, %sign3A_8, %sign3A_15 : i32
    %rem3A = arith.remsi %add3A, %jit3A : i32
    %ne3A_16 = arith.constant 0 : i32
    %ne3A_17 = arith.cmpi ne, %rem3A, %ne3A_16 : i32
    %and3A = arith.andi %ne3A, %ne3A_17 : i1
    %sub3A = arith.constant 1 : i32
    %sub3A_18 = arith.subi %div3A, %sub3A : i32
    %select_n3A = arith.select %and3A, %sub3A_18, %div3A : i32
    %mul3A_19 = arith.constant 2048 : i32
    %mul3A_20 = arith.muli %select_n3A, %mul3A_19 : i32
    %dma_start3A = tpu.memref_slice %arg2[%mul3A_2] : memref<8192xi32, #tpu.memory_space<hbm>> -> memref<256xi32, #tpu.memory_space<hbm>>
    %dma_start3A_21 = tpu.memref_slice %arg2[%mul3A_2] : memref<8192xi32, #tpu.memory_space<hbm>> -> memref<256xi32, #tpu.memory_space<hbm>>
    tpu.enqueue_dma source(%dma_start3A_21 : memref<256xi32, #tpu.memory_space<hbm>>) target(%arg6 : memref<256xi32, #tpu.memory_space<vmem>>) target_semaphore(%arg12 : memref<!tpu.dma_semaphore, #tpu.memory_space<semaphore_mem>>)
    %dma_start3A_22 = tpu.memref_slice %arg3[%mul3A_2] : memref<8192xi32, #tpu.memory_space<hbm>> -> memref<256xi32, #tpu.memory_space<hbm>>
    %dma_start3A_23 = tpu.memref_slice %arg3[%mul3A_2] : memref<8192xi32, #tpu.memory_space<hbm>> -> memref<256xi32, #tpu.memory_space<hbm>>
    tpu.enqueue_dma source(%dma_start3A_23 : memref<256xi32, #tpu.memory_space<hbm>>) target(%arg7 : memref<256xi32, #tpu.memory_space<vmem>>) target_semaphore(%arg12 : memref<!tpu.dma_semaphore, #tpu.memory_space<semaphore_mem>>)
    %dma_wait3A = tpu.memref_slice %arg2[%mul3A_2] : memref<8192xi32, #tpu.memory_space<hbm>> -> memref<256xi32, #tpu.memory_space<hbm>>
    %dma_wait3A_24 = tpu.memref_slice %arg2[%mul3A_2] : memref<8192xi32, #tpu.memory_space<hbm>> -> memref<256xi32, #tpu.memory_space<hbm>>
    tpu.wait_dma2 semaphore(%arg12 : memref<!tpu.dma_semaphore, #tpu.memory_space<semaphore_mem>>) src(%dma_wait3A_24 : memref<256xi32, #tpu.memory_space<hbm>>) dst(%arg6 : memref<256xi32, #tpu.memory_space<vmem>>)
    %dma_start3A_25 = arith.constant 0 : i32
    %dma_start3A_26 = tpu.memref_slice %arg8[%dma_start3A_25] : memref<256xi32, #tpu.memory_space<vmem>> -> memref<128xi32, #tpu.memory_space<vmem>>
    %dma_start3A_27 = arith.constant 0 : i32
    %dma_start3A_28 = tpu.memref_slice %arg6[%dma_start3A_27] : memref<256xi32, #tpu.memory_space<vmem>> -> memref<128xi32, #tpu.memory_space<vmem>>
    %dma_start3A_29 = arith.constant 0 : i32
    %dma_start3A_30 = tpu.memref_slice %arg3[%dma_start3A_29] : memref<8192xi32, #tpu.memory_space<hbm>> -> memref<8192xi32, #tpu.memory_space<hbm>>
    tpu.enqueue_indirect_dma source(%dma_start3A_30 : memref<8192xi32, #tpu.memory_space<hbm>>) target(%dma_start3A_26 : memref<128xi32, #tpu.memory_space<vmem>>) offsets(%dma_start3A_28 : memref<128xi32, #tpu.memory_space<vmem>>) semaphore(%arg13 : memref<!tpu.dma_semaphore, #tpu.memory_space<semaphore_mem>>)
    %dma_start3A_31 = arith.constant 128 : i32
    %dma_start3A_32 = tpu.memref_slice %arg8[%dma_start3A_31] : memref<256xi32, #tpu.memory_space<vmem>> -> memref<128xi32, #tpu.memory_space<vmem>>
    %dma_start3A_33 = arith.constant 128 : i32
    %dma_start3A_34 = tpu.memref_slice %arg6[%dma_start3A_33] : memref<256xi32, #tpu.memory_space<vmem>> -> memref<128xi32, #tpu.memory_space<vmem>>
    %dma_start3A_35 = arith.constant 0 : i32
    %dma_start3A_36 = tpu.memref_slice %arg3[%dma_start3A_35] : memref<8192xi32, #tpu.memory_space<hbm>> -> memref<8192xi32, #tpu.memory_space<hbm>>
    tpu.enqueue_indirect_dma source(%dma_start3A_36 : memref<8192xi32, #tpu.memory_space<hbm>>) target(%dma_start3A_32 : memref<128xi32, #tpu.memory_space<vmem>>) offsets(%dma_start3A_34 : memref<128xi32, #tpu.memory_space<vmem>>) semaphore(%arg13 : memref<!tpu.dma_semaphore, #tpu.memory_space<semaphore_mem>>)
    %dma_wait3A_37 = tpu.memref_slice %arg3[%mul3A_2] : memref<8192xi32, #tpu.memory_space<hbm>> -> memref<256xi32, #tpu.memory_space<hbm>>
    %dma_wait3A_38 = tpu.memref_slice %arg3[%mul3A_2] : memref<8192xi32, #tpu.memory_space<hbm>> -> memref<256xi32, #tpu.memory_space<hbm>>
    tpu.wait_dma2 semaphore(%arg12 : memref<!tpu.dma_semaphore, #tpu.memory_space<semaphore_mem>>) src(%dma_wait3A_38 : memref<256xi32, #tpu.memory_space<hbm>>) dst(%arg7 : memref<256xi32, #tpu.memory_space<vmem>>)
    %dma_start3A_39 = arith.constant 0 : i32
    %dma_start3A_40 = tpu.memref_slice %arg9[%dma_start3A_39] : memref<256xi32, #tpu.memory_space<vmem>> -> memref<128xi32, #tpu.memory_space<vmem>>
    %dma_start3A_41 = arith.constant 0 : i32
    %dma_start3A_42 = tpu.memref_slice %arg7[%dma_start3A_41] : memref<256xi32, #tpu.memory_space<vmem>> -> memref<128xi32, #tpu.memory_space<vmem>>
    %dma_start3A_43 = arith.constant 0 : i32
    %dma_start3A_44 = tpu.memref_slice %arg2[%dma_start3A_43] : memref<8192xi32, #tpu.memory_space<hbm>> -> memref<8192xi32, #tpu.memory_space<hbm>>
    tpu.enqueue_indirect_dma source(%dma_start3A_44 : memref<8192xi32, #tpu.memory_space<hbm>>) target(%dma_start3A_40 : memref<128xi32, #tpu.memory_space<vmem>>) offsets(%dma_start3A_42 : memref<128xi32, #tpu.memory_space<vmem>>) semaphore(%arg13 : memref<!tpu.dma_semaphore, #tpu.memory_space<semaphore_mem>>)
    %dma_start3A_45 = arith.constant 128 : i32
    %dma_start3A_46 = tpu.memref_slice %arg9[%dma_start3A_45] : memref<256xi32, #tpu.memory_space<vmem>> -> memref<128xi32, #tpu.memory_space<vmem>>
    %dma_start3A_47 = arith.constant 128 : i32
    %dma_start3A_48 = tpu.memref_slice %arg7[%dma_start3A_47] : memref<256xi32, #tpu.memory_space<vmem>> -> memref<128xi32, #tpu.memory_space<vmem>>
    %dma_start3A_49 = arith.constant 0 : i32
    %dma_start3A_50 = tpu.memref_slice %arg2[%dma_start3A_49] : memref<8192xi32, #tpu.memory_space<hbm>> -> memref<8192xi32, #tpu.memory_space<hbm>>
    tpu.enqueue_indirect_dma source(%dma_start3A_50 : memref<8192xi32, #tpu.memory_space<hbm>>) target(%dma_start3A_46 : memref<128xi32, #tpu.memory_space<vmem>>) offsets(%dma_start3A_48 : memref<128xi32, #tpu.memory_space<vmem>>) semaphore(%arg13 : memref<!tpu.dma_semaphore, #tpu.memory_space<semaphore_mem>>)
    %dma_wait3A_51 = arith.constant 0 : i32
    %dma_wait3A_52 = tpu.memref_slice %arg8[%dma_wait3A_51] : memref<256xi32, #tpu.memory_space<vmem>> -> memref<128xi32, #tpu.memory_space<vmem>>
    %dma_wait3A_53 = arith.constant 0 : i32
    %dma_wait3A_54 = tpu.memref_slice %arg6[%dma_wait3A_53] : memref<256xi32, #tpu.memory_space<vmem>> -> memref<128xi32, #tpu.memory_space<vmem>>
    %dma_wait3A_55 = arith.constant 0 : i32
    %dma_wait3A_56 = tpu.memref_slice %arg3[%dma_wait3A_55] : memref<8192xi32, #tpu.memory_space<hbm>> -> memref<8192xi32, #tpu.memory_space<hbm>>
    tpu.wait_indirect_dma semaphore(%arg13 : memref<!tpu.dma_semaphore, #tpu.memory_space<semaphore_mem>>) src(%dma_wait3A_56 : memref<8192xi32, #tpu.memory_space<hbm>>) dst(%dma_wait3A_52 : memref<128xi32, #tpu.memory_space<vmem>>)
    %dma_wait3A_57 = arith.constant 128 : i32
    %dma_wait3A_58 = tpu.memref_slice %arg8[%dma_wait3A_57] : memref<256xi32, #tpu.memory_space<vmem>> -> memref<128xi32, #tpu.memory_space<vmem>>
    %dma_wait3A_59 = arith.constant 128 : i32
    %dma_wait3A_60 = tpu.memref_slice %arg6[%dma_wait3A_59] : memref<256xi32, #tpu.memory_space<vmem>> -> memref<128xi32, #tpu.memory_space<vmem>>
    %dma_wait3A_61 = arith.constant 0 : i32
    %dma_wait3A_62 = tpu.memref_slice %arg3[%dma_wait3A_61] : memref<8192xi32, #tpu.memory_space<hbm>> -> memref<8192xi32, #tpu.memory_space<hbm>>
    tpu.wait_indirect_dma semaphore(%arg13 : memref<!tpu.dma_semaphore, #tpu.memory_space<semaphore_mem>>) src(%dma_wait3A_62 : memref<8192xi32, #tpu.memory_space<hbm>>) dst(%dma_wait3A_58 : memref<128xi32, #tpu.memory_space<vmem>>)
    %dma_wait3A_63 = arith.constant 0 : i32
    %dma_wait3A_64 = tpu.memref_slice %arg9[%dma_wait3A_63] : memref<256xi32, #tpu.memory_space<vmem>> -> memref<128xi32, #tpu.memory_space<vmem>>
    %dma_wait3A_65 = arith.constant 0 : i32
    %dma_wait3A_66 = tpu.memref_slice %arg7[%dma_wait3A_65] : memref<256xi32, #tpu.memory_space<vmem>> -> memref<128xi32, #tpu.memory_space<vmem>>
    %dma_wait3A_67 = arith.constant 0 : i32
    %dma_wait3A_68 = tpu.memref_slice %arg2[%dma_wait3A_67] : memref<8192xi32, #tpu.memory_space<hbm>> -> memref<8192xi32, #tpu.memory_space<hbm>>
    tpu.wait_indirect_dma semaphore(%arg13 : memref<!tpu.dma_semaphore, #tpu.memory_space<semaphore_mem>>) src(%dma_wait3A_68 : memref<8192xi32, #tpu.memory_space<hbm>>) dst(%dma_wait3A_64 : memref<128xi32, #tpu.memory_space<vmem>>)
    %dma_wait3A_69 = arith.constant 128 : i32
    %dma_wait3A_70 = tpu.memref_slice %arg9[%dma_wait3A_69] : memref<256xi32, #tpu.memory_space<vmem>> -> memref<128xi32, #tpu.memory_space<vmem>>
    %dma_wait3A_71 = arith.constant 128 : i32
    %dma_wait3A_72 = tpu.memref_slice %arg7[%dma_wait3A_71] : memref<256xi32, #tpu.memory_space<vmem>> -> memref<128xi32, #tpu.memory_space<vmem>>
    %dma_wait3A_73 = arith.constant 0 : i32
    %dma_wait3A_74 = tpu.memref_slice %arg2[%dma_wait3A_73] : memref<8192xi32, #tpu.memory_space<hbm>> -> memref<8192xi32, #tpu.memory_space<hbm>>
    tpu.wait_indirect_dma semaphore(%arg13 : memref<!tpu.dma_semaphore, #tpu.memory_space<semaphore_mem>>) src(%dma_wait3A_74 : memref<8192xi32, #tpu.memory_space<hbm>>) dst(%dma_wait3A_70 : memref<128xi32, #tpu.memory_space<vmem>>)
    %broadcast_in_dim3A = arith.constant -1 : i32
    %broadcast_in_dim3A_75 = vector.broadcast %broadcast_in_dim3A : i32 to vector<16xi32>
    %iota3A = tpu.iota {dimensions = array<i32: 0>} : vector<16xi32>
    %add3A_76 = arith.constant 0 : i32
    %add3A_77 = arith.addi %mul3A_2, %add3A_76 : i32
    %add3A_78 = vector.broadcast %add3A_77 : i32 to vector<16xi32>
    %add3A_79 = arith.addi %iota3A, %add3A_78 : vector<16xi32>
    %get3A = arith.constant 0 : index
    %get3A_80 = tpu.vector_load %arg8[%get3A] {strides = array<i32>} : memref<256xi32, #tpu.memory_space<vmem>>, vector<16xi32>,
    %get3A_81 = vector.shape_cast %get3A_80 : vector<16xi32> to vector<16xi32>
    %eq3A = arith.cmpi eq, %get3A_81, %add3A_79 : vector<16xi32>
    %get3A_82 = arith.constant 0 : index
    %get3A_83 = tpu.vector_load %arg6[%get3A_82] {strides = array<i32>} : memref<256xi32, #tpu.memory_space<vmem>>, vector<16xi32>,
    %get3A_84 = vector.shape_cast %get3A_83 : vector<16xi32> to vector<16xi32>
    %sub3A_85 = vector.broadcast %mul3A_20 : i32 to vector<16xi32>
    %sub3A_86 = arith.subi %get3A_84, %sub3A_85 : vector<16xi32>
    %select_n3A_87 = arith.select %eq3A, %sub3A_86, %broadcast_in_dim3A_75 : vector<16xi1>, vector<16xi32>
    %swap3A = arith.constant 0 : index
    %swap3A_88 = tpu.vector_load %arg10[%swap3A] {strides = array<i32>} : memref<256xi32, #tpu.memory_space<vmem>>, vector<16xi32>,
    %swap3A_89 = vector.shape_cast %swap3A_88 : vector<16xi32> to vector<16xi32>
    %swap3A_90 = vector.shape_cast %select_n3A_87 : vector<16xi32> to vector<16xi32>
    tpu.vector_store %arg10[%swap3A], %swap3A_90 {strides = array<i32>} : memref<256xi32, #tpu.memory_space<vmem>>, vector<16xi32>,
    %get3A_91 = arith.constant 0 : index
    %get3A_92 = tpu.vector_load %arg9[%get3A_91] {strides = array<i32>} : memref<256xi32, #tpu.memory_space<vmem>>, vector<16xi32>,
    %get3A_93 = vector.shape_cast %get3A_92 : vector<16xi32> to vector<16xi32>
    %eq3A_94 = arith.cmpi eq, %get3A_93, %add3A_79 : vector<16xi32>
    %get3A_95 = arith.constant 0 : index
    %get3A_96 = tpu.vector_load %arg7[%get3A_95] {strides = array<i32>} : memref<256xi32, #tpu.memory_space<vmem>>, vector<16xi32>,
    %get3A_97 = vector.shape_cast %get3A_96 : vector<16xi32> to vector<16xi32>
    %sub3A_98 = vector.broadcast %mul3A_20 : i32 to vector<16xi32>
    %sub3A_99 = arith.subi %get3A_97, %sub3A_98 : vector<16xi32>
    %select_n3A_100 = arith.select %eq3A_94, %sub3A_99, %broadcast_in_dim3A_75 : vector<16xi1>, vector<16xi32>
    %swap3A_101 = arith.constant 0 : index
    %swap3A_102 = tpu.vector_load %arg11[%swap3A_101] {strides = array<i32>} : memref<256xi32, #tpu.memory_space<vmem>>, vector<16xi32>,
    %swap3A_103 = vector.shape_cast %swap3A_102 : vector<16xi32> to vector<16xi32>
    %swap3A_104 = vector.shape_cast %select_n3A_100 : vector<16xi32> to vector<16xi32>
    tpu.vector_store %arg11[%swap3A_101], %swap3A_104 {strides = array<i32>} : memref<256xi32, #tpu.memory_space<vmem>>, vector<16xi32>,
    %iota3A_105 = tpu.iota {dimensions = array<i32: 0>} : vector<16xi32>
    %add3A_106 = arith.constant 16 : i32
    %add3A_107 = arith.addi %mul3A_2, %add3A_106 : i32
    %add3A_108 = vector.broadcast %add3A_107 : i32 to vector<16xi32>
    %add3A_109 = arith.addi %iota3A_105, %add3A_108 : vector<16xi32>
    %get3A_110 = arith.constant 16 : index
    %get3A_111 = tpu.vector_load %arg8[%get3A_110] {strides = array<i32>} : memref<256xi32, #tpu.memory_space<vmem>>, vector<16xi32>,
    %get3A_112 = vector.shape_cast %get3A_111 : vector<16xi32> to vector<16xi32>
    %eq3A_113 = arith.cmpi eq, %get3A_112, %add3A_109 : vector<16xi32>
    %get3A_114 = arith.constant 16 : index
    %get3A_115 = tpu.vector_load %arg6[%get3A_114] {strides = array<i32>} : memref<256xi32, #tpu.memory_space<vmem>>, vector<16xi32>,
    %get3A_116 = vector.shape_cast %get3A_115 : vector<16xi32> to vector<16xi32>
    %sub3A_117 = vector.broadcast %mul3A_20 : i32 to vector<16xi32>
    %sub3A_118 = arith.subi %get3A_116, %sub3A_117 : vector<16xi32>
    %select_n3A_119 = arith.select %eq3A_113, %sub3A_118, %broadcast_in_dim3A_75 : vector<16xi1>, vector<16xi32>
    %swap3A_120 = arith.constant 16 : index
    %swap3A_121 = tpu.vector_load %arg10[%swap3A_120] {strides = array<i32>} : memref<256xi32, #tpu.memory_space<vmem>>, vector<16xi32>,
    %swap3A_122 = vector.shape_cast %swap3A_121 : vector<16xi32> to vector<16xi32>
    %swap3A_123 = vector.shape_cast %select_n3A_119 : vector<16xi32> to vector<16xi32>
    tpu.vector_store %arg10[%swap3A_120], %swap3A_123 {strides = array<i32>} : memref<256xi32, #tpu.memory_space<vmem>>, vector<16xi32>,
    %get3A_124 = arith.constant 16 : index
    %get3A_125 = tpu.vector_load %arg9[%get3A_124] {strides = array<i32>} : memref<256xi32, #tpu.memory_space<vmem>>, vector<16xi32>,
    %get3A_126 = vector.shape_cast %get3A_125 : vector<16xi32> to vector<16xi32>
    %eq3A_127 = arith.cmpi eq, %get3A_126, %add3A_109 : vector<16xi32>
    %get3A_128 = arith.constant 16 : index
    %get3A_129 = tpu.vector_load %arg7[%get3A_128] {strides = array<i32>} : memref<256xi32, #tpu.memory_space<vmem>>, vector<16xi32>,
    %get3A_130 = vector.shape_cast %get3A_129 : vector<16xi32> to vector<16xi32>
    %sub3A_131 = vector.broadcast %mul3A_20 : i32 to vector<16xi32>
    %sub3A_132 = arith.subi %get3A_130, %sub3A_131 : vector<16xi32>
    %select_n3A_133 = arith.select %eq3A_127, %sub3A_132, %broadcast_in_dim3A_75 : vector<16xi1>, vector<16xi32>
    %swap3A_134 = arith.constant 16 : index
    %swap3A_135 = tpu.vector_load %arg11[%swap3A_134] {strides = array<i32>} : memref<256xi32, #tpu.memory_space<vmem>>, vector<16xi32>,
    %swap3A_136 = vector.shape_cast %swap3A_135 : vector<16xi32> to vector<16xi32>
    %swap3A_137 = vector.shape_cast %select_n3A_133 : vector<16xi32> to vector<16xi32>
    tpu.vector_store %arg11[%swap3A_134], %swap3A_137 {strides = array<i32>} : memref<256xi32, #tpu.memory_space<vmem>>, vector<16xi32>,
    %iota3A_138 = tpu.iota {dimensions = array<i32: 0>} : vector<16xi32>
    %add3A_139 = arith.constant 32 : i32
    %add3A_140 = arith.addi %mul3A_2, %add3A_139 : i32
    %add3A_141 = vector.broadcast %add3A_140 : i32 to vector<16xi32>
    %add3A_142 = arith.addi %iota3A_138, %add3A_141 : vector<16xi32>
    %get3A_143 = arith.constant 32 : index
    %get3A_144 = tpu.vector_load %arg8[%get3A_143] {strides = array<i32>} : memref<256xi32, #tpu.memory_space<vmem>>, vector<16xi32>,
    %get3A_145 = vector.shape_cast %get3A_144 : vector<16xi32> to vector<16xi32>
    %eq3A_146 = arith.cmpi eq, %get3A_145, %add3A_142 : vector<16xi32>
    %get3A_147 = arith.constant 32 : index
    %get3A_148 = tpu.vector_load %arg6[%get3A_147] {strides = array<i32>} : memref<256xi32, #tpu.memory_space<vmem>>, vector<16xi32>,
    %get3A_149 = vector.shape_cast %get3A_148 : vector<16xi32> to vector<16xi32>
    %sub3A_150 = vector.broadcast %mul3A_20 : i32 to vector<16xi32>
    %sub3A_151 = arith.subi %get3A_149, %sub3A_150 : vector<16xi32>
    %select_n3A_152 = arith.select %eq3A_146, %sub3A_151, %broadcast_in_dim3A_75 : vector<16xi1>, vector<16xi32>
    %swap3A_153 = arith.constant 32 : index
    %swap3A_154 = tpu.vector_load %arg10[%swap3A_153] {strides = array<i32>} : memref<256xi32, #tpu.memory_space<vmem>>, vector<16xi32>,
    %swap3A_155 = vector.shape_cast %swap3A_154 : vector<16xi32> to vector<16xi32>
    %swap3A_156 = vector.shape_cast %select_n3A_152 : vector<16xi32> to vector<16xi32>
    tpu.vector_store %arg10[%swap3A_153], %swap3A_156 {strides = array<i32>} : memref<256xi32, #tpu.memory_space<vmem>>, vector<16xi32>,
    %get3A_157 = arith.constant 32 : index
    %get3A_158 = tpu.vector_load %arg9[%get3A_157] {strides = array<i32>} : memref<256xi32, #tpu.memory_space<vmem>>, vector<16xi32>,
    %get3A_159 = vector.shape_cast %get3A_158 : vector<16xi32> to vector<16xi32>
    %eq3A_160 = arith.cmpi eq, %get3A_159, %add3A_142 : vector<16xi32>
    %get3A_161 = arith.constant 32 : index
    %get3A_162 = tpu.vector_load %arg7[%get3A_161] {strides = array<i32>} : memref<256xi32, #tpu.memory_space<vmem>>, vector<16xi32>,
    %get3A_163 = vector.shape_cast %get3A_162 : vector<16xi32> to vector<16xi32>
    %sub3A_164 = vector.broadcast %mul3A_20 : i32 to vector<16xi32>
    %sub3A_165 = arith.subi %get3A_163, %sub3A_164 : vector<16xi32>
    %select_n3A_166 = arith.select %eq3A_160, %sub3A_165, %broadcast_in_dim3A_75 : vector<16xi1>, vector<16xi32>
    %swap3A_167 = arith.constant 32 : index
    %swap3A_168 = tpu.vector_load %arg11[%swap3A_167] {strides = array<i32>} : memref<256xi32, #tpu.memory_space<vmem>>, vector<16xi32>,
    %swap3A_169 = vector.shape_cast %swap3A_168 : vector<16xi32> to vector<16xi32>
    %swap3A_170 = vector.shape_cast %select_n3A_166 : vector<16xi32> to vector<16xi32>
    tpu.vector_store %arg11[%swap3A_167], %swap3A_170 {strides = array<i32>} : memref<256xi32, #tpu.memory_space<vmem>>, vector<16xi32>,
    %iota3A_171 = tpu.iota {dimensions = array<i32: 0>} : vector<16xi32>
    %add3A_172 = arith.constant 48 : i32
    %add3A_173 = arith.addi %mul3A_2, %add3A_172 : i32
    %add3A_174 = vector.broadcast %add3A_173 : i32 to vector<16xi32>
    %add3A_175 = arith.addi %iota3A_171, %add3A_174 : vector<16xi32>
    %get3A_176 = arith.constant 48 : index
    %get3A_177 = tpu.vector_load %arg8[%get3A_176] {strides = array<i32>} : memref<256xi32, #tpu.memory_space<vmem>>, vector<16xi32>,
    %get3A_178 = vector.shape_cast %get3A_177 : vector<16xi32> to vector<16xi32>
    %eq3A_179 = arith.cmpi eq, %get3A_178, %add3A_175 : vector<16xi32>
    %get3A_180 = arith.constant 48 : index
    %get3A_181 = tpu.vector_load %arg6[%get3A_180] {strides = array<i32>} : memref<256xi32, #tpu.memory_space<vmem>>, vector<16xi32>,
    %get3A_182 = vector.shape_cast %get3A_181 : vector<16xi32> to vector<16xi32>
    %sub3A_183 = vector.broadcast %mul3A_20 : i32 to vector<16xi32>
    %sub3A_184 = arith.subi %get3A_182, %sub3A_183 : vector<16xi32>
    %select_n3A_185 = arith.select %eq3A_179, %sub3A_184, %broadcast_in_dim3A_75 : vector<16xi1>, vector<16xi32>
    %swap3A_186 = arith.constant 48 : index
    %swap3A_187 = tpu.vector_load %arg10[%swap3A_186] {strides = array<i32>} : memref<256xi32, #tpu.memory_space<vmem>>, vector<16xi32>,
    %swap3A_188 = vector.shape_cast %swap3A_187 : vector<16xi32> to vector<16xi32>
    %swap3A_189 = vector.shape_cast %select_n3A_185 : vector<16xi32> to vector<16xi32>
    tpu.vector_store %arg10[%swap3A_186], %swap3A_189 {strides = array<i32>} : memref<256xi32, #tpu.memory_space<vmem>>, vector<16xi32>,
    %get3A_190 = arith.constant 48 : index
    %get3A_191 = tpu.vector_load %arg9[%get3A_190] {strides = array<i32>} : memref<256xi32, #tpu.memory_space<vmem>>, vector<16xi32>,
    %get3A_192 = vector.shape_cast %get3A_191 : vector<16xi32> to vector<16xi32>
    %eq3A_193 = arith.cmpi eq, %get3A_192, %add3A_175 : vector<16xi32>
    %get3A_194 = arith.constant 48 : index
    %get3A_195 = tpu.vector_load %arg7[%get3A_194] {strides = array<i32>} : memref<256xi32, #tpu.memory_space<vmem>>, vector<16xi32>,
    %get3A_196 = vector.shape_cast %get3A_195 : vector<16xi32> to vector<16xi32>
    %sub3A_197 = vector.broadcast %mul3A_20 : i32 to vector<16xi32>
    %sub3A_198 = arith.subi %get3A_196, %sub3A_197 : vector<16xi32>
    %select_n3A_199 = arith.select %eq3A_193, %sub3A_198, %broadcast_in_dim3A_75 : vector<16xi1>, vector<16xi32>
    %swap3A_200 = arith.constant 48 : index
    %swap3A_201 = tpu.vector_load %arg11[%swap3A_200] {strides = array<i32>} : memref<256xi32, #tpu.memory_space<vmem>>, vector<16xi32>,
    %swap3A_202 = vector.shape_cast %swap3A_201 : vector<16xi32> to vector<16xi32>
    %swap3A_203 = vector.shape_cast %select_n3A_199 : vector<16xi32> to vector<16xi32>
    tpu.vector_store %arg11[%swap3A_200], %swap3A_203 {strides = array<i32>} : memref<256xi32, #tpu.memory_space<vmem>>, vector<16xi32>,
    %iota3A_204 = tpu.iota {dimensions = array<i32: 0>} : vector<16xi32>
    %add3A_205 = arith.constant 64 : i32
    %add3A_206 = arith.addi %mul3A_2, %add3A_205 : i32
    %add3A_207 = vector.broadcast %add3A_206 : i32 to vector<16xi32>
    %add3A_208 = arith.addi %iota3A_204, %add3A_207 : vector<16xi32>
    %get3A_209 = arith.constant 64 : index
    %get3A_210 = tpu.vector_load %arg8[%get3A_209] {strides = array<i32>} : memref<256xi32, #tpu.memory_space<vmem>>, vector<16xi32>,
    %get3A_211 = vector.shape_cast %get3A_210 : vector<16xi32> to vector<16xi32>
    %eq3A_212 = arith.cmpi eq, %get3A_211, %add3A_208 : vector<16xi32>
    %get3A_213 = arith.constant 64 : index
    %get3A_214 = tpu.vector_load %arg6[%get3A_213] {strides = array<i32>} : memref<256xi32, #tpu.memory_space<vmem>>, vector<16xi32>,
    %get3A_215 = vector.shape_cast %get3A_214 : vector<16xi32> to vector<16xi32>
    %sub3A_216 = vector.broadcast %mul3A_20 : i32 to vector<16xi32>
    %sub3A_217 = arith.subi %get3A_215, %sub3A_216 : vector<16xi32>
    %select_n3A_218 = arith.select %eq3A_212, %sub3A_217, %broadcast_in_dim3A_75 : vector<16xi1>, vector<16xi32>
    %swap3A_219 = arith.constant 64 : index
    %swap3A_220 = tpu.vector_load %arg10[%swap3A_219] {strides = array<i32>} : memref<256xi32, #tpu.memory_space<vmem>>, vector<16xi32>,
    %swap3A_221 = vector.shape_cast %swap3A_220 : vector<16xi32> to vector<16xi32>
    %swap3A_222 = vector.shape_cast %select_n3A_218 : vector<16xi32> to vector<16xi32>
    tpu.vector_store %arg10[%swap3A_219], %swap3A_222 {strides = array<i32>} : memref<256xi32, #tpu.memory_space<vmem>>, vector<16xi32>,
    %get3A_223 = arith.constant 64 : index
    %get3A_224 = tpu.vector_load %arg9[%get3A_223] {strides = array<i32>} : memref<256xi32, #tpu.memory_space<vmem>>, vector<16xi32>,
    %get3A_225 = vector.shape_cast %get3A_224 : vector<16xi32> to vector<16xi32>
    %eq3A_226 = arith.cmpi eq, %get3A_225, %add3A_208 : vector<16xi32>
    %get3A_227 = arith.constant 64 : index
    %get3A_228 = tpu.vector_load %arg7[%get3A_227] {strides = array<i32>} : memref<256xi32, #tpu.memory_space<vmem>>, vector<16xi32>,
    %get3A_229 = vector.shape_cast %get3A_228 : vector<16xi32> to vector<16xi32>
    %sub3A_230 = vector.broadcast %mul3A_20 : i32 to vector<16xi32>
    %sub3A_231 = arith.subi %get3A_229, %sub3A_230 : vector<16xi32>
    %select_n3A_232 = arith.select %eq3A_226, %sub3A_231, %broadcast_in_dim3A_75 : vector<16xi1>, vector<16xi32>
    %swap3A_233 = arith.constant 64 : index
    %swap3A_234 = tpu.vector_load %arg11[%swap3A_233] {strides = array<i32>} : memref<256xi32, #tpu.memory_space<vmem>>, vector<16xi32>,
    %swap3A_235 = vector.shape_cast %swap3A_234 : vector<16xi32> to vector<16xi32>
    %swap3A_236 = vector.shape_cast %select_n3A_232 : vector<16xi32> to vector<16xi32>
    tpu.vector_store %arg11[%swap3A_233], %swap3A_236 {strides = array<i32>} : memref<256xi32, #tpu.memory_space<vmem>>, vector<16xi32>,
    %iota3A_237 = tpu.iota {dimensions = array<i32: 0>} : vector<16xi32>
    %add3A_238 = arith.constant 80 : i32
    %add3A_239 = arith.addi %mul3A_2, %add3A_238 : i32
    %add3A_240 = vector.broadcast %add3A_239 : i32 to vector<16xi32>
    %add3A_241 = arith.addi %iota3A_237, %add3A_240 : vector<16xi32>
    %get3A_242 = arith.constant 80 : index
    %get3A_243 = tpu.vector_load %arg8[%get3A_242] {strides = array<i32>} : memref<256xi32, #tpu.memory_space<vmem>>, vector<16xi32>,
    %get3A_244 = vector.shape_cast %get3A_243 : vector<16xi32> to vector<16xi32>
    %eq3A_245 = arith.cmpi eq, %get3A_244, %add3A_241 : vector<16xi32>
    %get3A_246 = arith.constant 80 : index
    %get3A_247 = tpu.vector_load %arg6[%get3A_246] {strides = array<i32>} : memref<256xi32, #tpu.memory_space<vmem>>, vector<16xi32>,
    %get3A_248 = vector.shape_cast %get3A_247 : vector<16xi32> to vector<16xi32>
    %sub3A_249 = vector.broadcast %mul3A_20 : i32 to vector<16xi32>
    %sub3A_250 = arith.subi %get3A_248, %sub3A_249 : vector<16xi32>
    %select_n3A_251 = arith.select %eq3A_245, %sub3A_250, %broadcast_in_dim3A_75 : vector<16xi1>, vector<16xi32>
    %swap3A_252 = arith.constant 80 : index
    %swap3A_253 = tpu.vector_load %arg10[%swap3A_252] {strides = array<i32>} : memref<256xi32, #tpu.memory_space<vmem>>, vector<16xi32>,
    %swap3A_254 = vector.shape_cast %swap3A_253 : vector<16xi32> to vector<16xi32>
    %swap3A_255 = vector.shape_cast %select_n3A_251 : vector<16xi32> to vector<16xi32>
    tpu.vector_store %arg10[%swap3A_252], %swap3A_255 {strides = array<i32>} : memref<256xi32, #tpu.memory_space<vmem>>, vector<16xi32>,
    %get3A_256 = arith.constant 80 : index
    %get3A_257 = tpu.vector_load %arg9[%get3A_256] {strides = array<i32>} : memref<256xi32, #tpu.memory_space<vmem>>, vector<16xi32>,
    %get3A_258 = vector.shape_cast %get3A_257 : vector<16xi32> to vector<16xi32>
    %eq3A_259 = arith.cmpi eq, %get3A_258, %add3A_241 : vector<16xi32>
    %get3A_260 = arith.constant 80 : index
    %get3A_261 = tpu.vector_load %arg7[%get3A_260] {strides = array<i32>} : memref<256xi32, #tpu.memory_space<vmem>>, vector<16xi32>,
    %get3A_262 = vector.shape_cast %get3A_261 : vector<16xi32> to vector<16xi32>
    %sub3A_263 = vector.broadcast %mul3A_20 : i32 to vector<16xi32>
    %sub3A_264 = arith.subi %get3A_262, %sub3A_263 : vector<16xi32>
    %select_n3A_265 = arith.select %eq3A_259, %sub3A_264, %broadcast_in_dim3A_75 : vector<16xi1>, vector<16xi32>
    %swap3A_266 = arith.constant 80 : index
    %swap3A_267 = tpu.vector_load %arg11[%swap3A_266] {strides = array<i32>} : memref<256xi32, #tpu.memory_space<vmem>>, vector<16xi32>,
    %swap3A_268 = vector.shape_cast %swap3A_267 : vector<16xi32> to vector<16xi32>
    %swap3A_269 = vector.shape_cast %select_n3A_265 : vector<16xi32> to vector<16xi32>
    tpu.vector_store %arg11[%swap3A_266], %swap3A_269 {strides = array<i32>} : memref<256xi32, #tpu.memory_space<vmem>>, vector<16xi32>,
    %iota3A_270 = tpu.iota {dimensions = array<i32: 0>} : vector<16xi32>
    %add3A_271 = arith.constant 96 : i32
    %add3A_272 = arith.addi %mul3A_2, %add3A_271 : i32
    %add3A_273 = vector.broadcast %add3A_272 : i32 to vector<16xi32>
    %add3A_274 = arith.addi %iota3A_270, %add3A_273 : vector<16xi32>
    %get3A_275 = arith.constant 96 : index
    %get3A_276 = tpu.vector_load %arg8[%get3A_275] {strides = array<i32>} : memref<256xi32, #tpu.memory_space<vmem>>, vector<16xi32>,
    %get3A_277 = vector.shape_cast %get3A_276 : vector<16xi32> to vector<16xi32>
    %eq3A_278 = arith.cmpi eq, %get3A_277, %add3A_274 : vector<16xi32>
    %get3A_279 = arith.constant 96 : index
    %get3A_280 = tpu.vector_load %arg6[%get3A_279] {strides = array<i32>} : memref<256xi32, #tpu.memory_space<vmem>>, vector<16xi32>,
    %get3A_281 = vector.shape_cast %get3A_280 : vector<16xi32> to vector<16xi32>
    %sub3A_282 = vector.broadcast %mul3A_20 : i32 to vector<16xi32>
    %sub3A_283 = arith.subi %get3A_281, %sub3A_282 : vector<16xi32>
    %select_n3A_284 = arith.select %eq3A_278, %sub3A_283, %broadcast_in_dim3A_75 : vector<16xi1>, vector<16xi32>
    %swap3A_285 = arith.constant 96 : index
    %swap3A_286 = tpu.vector_load %arg10[%swap3A_285] {strides = array<i32>} : memref<256xi32, #tpu.memory_space<vmem>>, vector<16xi32>,
    %swap3A_287 = vector.shape_cast %swap3A_286 : vector<16xi32> to vector<16xi32>
    %swap3A_288 = vector.shape_cast %select_n3A_284 : vector<16xi32> to vector<16xi32>
    tpu.vector_store %arg10[%swap3A_285], %swap3A_288 {strides = array<i32>} : memref<256xi32, #tpu.memory_space<vmem>>, vector<16xi32>,
    %get3A_289 = arith.constant 96 : index
    %get3A_290 = tpu.vector_load %arg9[%get3A_289] {strides = array<i32>} : memref<256xi32, #tpu.memory_space<vmem>>, vector<16xi32>,
    %get3A_291 = vector.shape_cast %get3A_290 : vector<16xi32> to vector<16xi32>
    %eq3A_292 = arith.cmpi eq, %get3A_291, %add3A_274 : vector<16xi32>
    %get3A_293 = arith.constant 96 : index
    %get3A_294 = tpu.vector_load %arg7[%get3A_293] {strides = array<i32>} : memref<256xi32, #tpu.memory_space<vmem>>, vector<16xi32>,
    %get3A_295 = vector.shape_cast %get3A_294 : vector<16xi32> to vector<16xi32>
    %sub3A_296 = vector.broadcast %mul3A_20 : i32 to vector<16xi32>
    %sub3A_297 = arith.subi %get3A_295, %sub3A_296 : vector<16xi32>
    %select_n3A_298 = arith.select %eq3A_292, %sub3A_297, %broadcast_in_dim3A_75 : vector<16xi1>, vector<16xi32>
    %swap3A_299 = arith.constant 96 : index
    %swap3A_300 = tpu.vector_load %arg11[%swap3A_299] {strides = array<i32>} : memref<256xi32, #tpu.memory_space<vmem>>, vector<16xi32>,
    %swap3A_301 = vector.shape_cast %swap3A_300 : vector<16xi32> to vector<16xi32>
    %swap3A_302 = vector.shape_cast %select_n3A_298 : vector<16xi32> to vector<16xi32>
    tpu.vector_store %arg11[%swap3A_299], %swap3A_302 {strides = array<i32>} : memref<256xi32, #tpu.memory_space<vmem>>, vector<16xi32>,
    %iota3A_303 = tpu.iota {dimensions = array<i32: 0>} : vector<16xi32>
    %add3A_304 = arith.constant 112 : i32
    %add3A_305 = arith.addi %mul3A_2, %add3A_304 : i32
    %add3A_306 = vector.broadcast %add3A_305 : i32 to vector<16xi32>
    %add3A_307 = arith.addi %iota3A_303, %add3A_306 : vector<16xi32>
    %get3A_308 = arith.constant 112 : index
    %get3A_309 = tpu.vector_load %arg8[%get3A_308] {strides = array<i32>} : memref<256xi32, #tpu.memory_space<vmem>>, vector<16xi32>,
    %get3A_310 = vector.shape_cast %get3A_309 : vector<16xi32> to vector<16xi32>
    %eq3A_311 = arith.cmpi eq, %get3A_310, %add3A_307 : vector<16xi32>
    %get3A_312 = arith.constant 112 : index
    %get3A_313 = tpu.vector_load %arg6[%get3A_312] {strides = array<i32>} : memref<256xi32, #tpu.memory_space<vmem>>, vector<16xi32>,
    %get3A_314 = vector.shape_cast %get3A_313 : vector<16xi32> to vector<16xi32>
    %sub3A_315 = vector.broadcast %mul3A_20 : i32 to vector<16xi32>
    %sub3A_316 = arith.subi %get3A_314, %sub3A_315 : vector<16xi32>
    %select_n3A_317 = arith.select %eq3A_311, %sub3A_316, %broadcast_in_dim3A_75 : vector<16xi1>, vector<16xi32>
    %swap3A_318 = arith.constant 112 : index
    %swap3A_319 = tpu.vector_load %arg10[%swap3A_318] {strides = array<i32>} : memref<256xi32, #tpu.memory_space<vmem>>, vector<16xi32>,
    %swap3A_320 = vector.shape_cast %swap3A_319 : vector<16xi32> to vector<16xi32>
    %swap3A_321 = vector.shape_cast %select_n3A_317 : vector<16xi32> to vector<16xi32>
    tpu.vector_store %arg10[%swap3A_318], %swap3A_321 {strides = array<i32>} : memref<256xi32, #tpu.memory_space<vmem>>, vector<16xi32>,
    %get3A_322 = arith.constant 112 : index
    %get3A_323 = tpu.vector_load %arg9[%get3A_322] {strides = array<i32>} : memref<256xi32, #tpu.memory_space<vmem>>, vector<16xi32>,
    %get3A_324 = vector.shape_cast %get3A_323 : vector<16xi32> to vector<16xi32>
    %eq3A_325 = arith.cmpi eq, %get3A_324, %add3A_307 : vector<16xi32>
    %get3A_326 = arith.constant 112 : index
    %get3A_327 = tpu.vector_load %arg7[%get3A_326] {strides = array<i32>} : memref<256xi32, #tpu.memory_space<vmem>>, vector<16xi32>,
    %get3A_328 = vector.shape_cast %get3A_327 : vector<16xi32> to vector<16xi32>
    %sub3A_329 = vector.broadcast %mul3A_20 : i32 to vector<16xi32>
    %sub3A_330 = arith.subi %get3A_328, %sub3A_329 : vector<16xi32>
    %select_n3A_331 = arith.select %eq3A_325, %sub3A_330, %broadcast_in_dim3A_75 : vector<16xi1>, vector<16xi32>
    %swap3A_332 = arith.constant 112 : index
    %swap3A_333 = tpu.vector_load %arg11[%swap3A_332] {strides = array<i32>} : memref<256xi32, #tpu.memory_space<vmem>>, vector<16xi32>,
    %swap3A_334 = vector.shape_cast %swap3A_333 : vector<16xi32> to vector<16xi32>
    %swap3A_335 = vector.shape_cast %select_n3A_331 : vector<16xi32> to vector<16xi32>
    tpu.vector_store %arg11[%swap3A_332], %swap3A_335 {strides = array<i32>} : memref<256xi32, #tpu.memory_space<vmem>>, vector<16xi32>,
    %iota3A_336 = tpu.iota {dimensions = array<i32: 0>} : vector<16xi32>
    %add3A_337 = arith.constant 128 : i32
    %add3A_338 = arith.addi %mul3A_2, %add3A_337 : i32
    %add3A_339 = vector.broadcast %add3A_338 : i32 to vector<16xi32>
    %add3A_340 = arith.addi %iota3A_336, %add3A_339 : vector<16xi32>
    %get3A_341 = arith.constant 128 : index
    %get3A_342 = tpu.vector_load %arg8[%get3A_341] {strides = array<i32>} : memref<256xi32, #tpu.memory_space<vmem>>, vector<16xi32>,
    %get3A_343 = vector.shape_cast %get3A_342 : vector<16xi32> to vector<16xi32>
    %eq3A_344 = arith.cmpi eq, %get3A_343, %add3A_340 : vector<16xi32>
    %get3A_345 = arith.constant 128 : index
    %get3A_346 = tpu.vector_load %arg6[%get3A_345] {strides = array<i32>} : memref<256xi32, #tpu.memory_space<vmem>>, vector<16xi32>,
    %get3A_347 = vector.shape_cast %get3A_346 : vector<16xi32> to vector<16xi32>
    %sub3A_348 = vector.broadcast %mul3A_20 : i32 to vector<16xi32>
    %sub3A_349 = arith.subi %get3A_347, %sub3A_348 : vector<16xi32>
    %select_n3A_350 = arith.select %eq3A_344, %sub3A_349, %broadcast_in_dim3A_75 : vector<16xi1>, vector<16xi32>
    %swap3A_351 = arith.constant 128 : index
    %swap3A_352 = tpu.vector_load %arg10[%swap3A_351] {strides = array<i32>} : memref<256xi32, #tpu.memory_space<vmem>>, vector<16xi32>,
    %swap3A_353 = vector.shape_cast %swap3A_352 : vector<16xi32> to vector<16xi32>
    %swap3A_354 = vector.shape_cast %select_n3A_350 : vector<16xi32> to vector<16xi32>
    tpu.vector_store %arg10[%swap3A_351], %swap3A_354 {strides = array<i32>} : memref<256xi32, #tpu.memory_space<vmem>>, vector<16xi32>,
    %get3A_355 = arith.constant 128 : index
    %get3A_356 = tpu.vector_load %arg9[%get3A_355] {strides = array<i32>} : memref<256xi32, #tpu.memory_space<vmem>>, vector<16xi32>,
    %get3A_357 = vector.shape_cast %get3A_356 : vector<16xi32> to vector<16xi32>
    %eq3A_358 = arith.cmpi eq, %get3A_357, %add3A_340 : vector<16xi32>
    %get3A_359 = arith.constant 128 : index
    %get3A_360 = tpu.vector_load %arg7[%get3A_359] {strides = array<i32>} : memref<256xi32, #tpu.memory_space<vmem>>, vector<16xi32>,
    %get3A_361 = vector.shape_cast %get3A_360 : vector<16xi32> to vector<16xi32>
    %sub3A_362 = vector.broadcast %mul3A_20 : i32 to vector<16xi32>
    %sub3A_363 = arith.subi %get3A_361, %sub3A_362 : vector<16xi32>
    %select_n3A_364 = arith.select %eq3A_358, %sub3A_363, %broadcast_in_dim3A_75 : vector<16xi1>, vector<16xi32>
    %swap3A_365 = arith.constant 128 : index
    %swap3A_366 = tpu.vector_load %arg11[%swap3A_365] {strides = array<i32>} : memref<256xi32, #tpu.memory_space<vmem>>, vector<16xi32>,
    %swap3A_367 = vector.shape_cast %swap3A_366 : vector<16xi32> to vector<16xi32>
    %swap3A_368 = vector.shape_cast %select_n3A_364 : vector<16xi32> to vector<16xi32>
    tpu.vector_store %arg11[%swap3A_365], %swap3A_368 {strides = array<i32>} : memref<256xi32, #tpu.memory_space<vmem>>, vector<16xi32>,
    %iota3A_369 = tpu.iota {dimensions = array<i32: 0>} : vector<16xi32>
    %add3A_370 = arith.constant 144 : i32
    %add3A_371 = arith.addi %mul3A_2, %add3A_370 : i32
    %add3A_372 = vector.broadcast %add3A_371 : i32 to vector<16xi32>
    %add3A_373 = arith.addi %iota3A_369, %add3A_372 : vector<16xi32>
    %get3A_374 = arith.constant 144 : index
    %get3A_375 = tpu.vector_load %arg8[%get3A_374] {strides = array<i32>} : memref<256xi32, #tpu.memory_space<vmem>>, vector<16xi32>,
    %get3A_376 = vector.shape_cast %get3A_375 : vector<16xi32> to vector<16xi32>
    %eq3A_377 = arith.cmpi eq, %get3A_376, %add3A_373 : vector<16xi32>
    %get3A_378 = arith.constant 144 : index
    %get3A_379 = tpu.vector_load %arg6[%get3A_378] {strides = array<i32>} : memref<256xi32, #tpu.memory_space<vmem>>, vector<16xi32>,
    %get3A_380 = vector.shape_cast %get3A_379 : vector<16xi32> to vector<16xi32>
    %sub3A_381 = vector.broadcast %mul3A_20 : i32 to vector<16xi32>
    %sub3A_382 = arith.subi %get3A_380, %sub3A_381 : vector<16xi32>
    %select_n3A_383 = arith.select %eq3A_377, %sub3A_382, %broadcast_in_dim3A_75 : vector<16xi1>, vector<16xi32>
    %swap3A_384 = arith.constant 144 : index
    %swap3A_385 = tpu.vector_load %arg10[%swap3A_384] {strides = array<i32>} : memref<256xi32, #tpu.memory_space<vmem>>, vector<16xi32>,
    %swap3A_386 = vector.shape_cast %swap3A_385 : vector<16xi32> to vector<16xi32>
    %swap3A_387 = vector.shape_cast %select_n3A_383 : vector<16xi32> to vector<16xi32>
    tpu.vector_store %arg10[%swap3A_384], %swap3A_387 {strides = array<i32>} : memref<256xi32, #tpu.memory_space<vmem>>, vector<16xi32>,
    %get3A_388 = arith.constant 144 : index
    %get3A_389 = tpu.vector_load %arg9[%get3A_388] {strides = array<i32>} : memref<256xi32, #tpu.memory_space<vmem>>, vector<16xi32>,
    %get3A_390 = vector.shape_cast %get3A_389 : vector<16xi32> to vector<16xi32>
    %eq3A_391 = arith.cmpi eq, %get3A_390, %add3A_373 : vector<16xi32>
    %get3A_392 = arith.constant 144 : index
    %get3A_393 = tpu.vector_load %arg7[%get3A_392] {strides = array<i32>} : memref<256xi32, #tpu.memory_space<vmem>>, vector<16xi32>,
    %get3A_394 = vector.shape_cast %get3A_393 : vector<16xi32> to vector<16xi32>
    %sub3A_395 = vector.broadcast %mul3A_20 : i32 to vector<16xi32>
    %sub3A_396 = arith.subi %get3A_394, %sub3A_395 : vector<16xi32>
    %select_n3A_397 = arith.select %eq3A_391, %sub3A_396, %broadcast_in_dim3A_75 : vector<16xi1>, vector<16xi32>
    %swap3A_398 = arith.constant 144 : index
    %swap3A_399 = tpu.vector_load %arg11[%swap3A_398] {strides = array<i32>} : memref<256xi32, #tpu.memory_space<vmem>>, vector<16xi32>,
    %swap3A_400 = vector.shape_cast %swap3A_399 : vector<16xi32> to vector<16xi32>
    %swap3A_401 = vector.shape_cast %select_n3A_397 : vector<16xi32> to vector<16xi32>
    tpu.vector_store %arg11[%swap3A_398], %swap3A_401 {strides = array<i32>} : memref<256xi32, #tpu.memory_space<vmem>>, vector<16xi32>,
    %iota3A_402 = tpu.iota {dimensions = array<i32: 0>} : vector<16xi32>
    %add3A_403 = arith.constant 160 : i32
    %add3A_404 = arith.addi %mul3A_2, %add3A_403 : i32
    %add3A_405 = vector.broadcast %add3A_404 : i32 to vector<16xi32>
    %add3A_406 = arith.addi %iota3A_402, %add3A_405 : vector<16xi32>
    %get3A_407 = arith.constant 160 : index
    %get3A_408 = tpu.vector_load %arg8[%get3A_407] {strides = array<i32>} : memref<256xi32, #tpu.memory_space<vmem>>, vector<16xi32>,
    %get3A_409 = vector.shape_cast %get3A_408 : vector<16xi32> to vector<16xi32>
    %eq3A_410 = arith.cmpi eq, %get3A_409, %add3A_406 : vector<16xi32>
    %get3A_411 = arith.constant 160 : index
    %get3A_412 = tpu.vector_load %arg6[%get3A_411] {strides = array<i32>} : memref<256xi32, #tpu.memory_space<vmem>>, vector<16xi32>,
    %get3A_413 = vector.shape_cast %get3A_412 : vector<16xi32> to vector<16xi32>
    %sub3A_414 = vector.broadcast %mul3A_20 : i32 to vector<16xi32>
    %sub3A_415 = arith.subi %get3A_413, %sub3A_414 : vector<16xi32>
    %select_n3A_416 = arith.select %eq3A_410, %sub3A_415, %broadcast_in_dim3A_75 : vector<16xi1>, vector<16xi32>
    %swap3A_417 = arith.constant 160 : index
    %swap3A_418 = tpu.vector_load %arg10[%swap3A_417] {strides = array<i32>} : memref<256xi32, #tpu.memory_space<vmem>>, vector<16xi32>,
    %swap3A_419 = vector.shape_cast %swap3A_418 : vector<16xi32> to vector<16xi32>
    %swap3A_420 = vector.shape_cast %select_n3A_416 : vector<16xi32> to vector<16xi32>
    tpu.vector_store %arg10[%swap3A_417], %swap3A_420 {strides = array<i32>} : memref<256xi32, #tpu.memory_space<vmem>>, vector<16xi32>,
    %get3A_421 = arith.constant 160 : index
    %get3A_422 = tpu.vector_load %arg9[%get3A_421] {strides = array<i32>} : memref<256xi32, #tpu.memory_space<vmem>>, vector<16xi32>,
    %get3A_423 = vector.shape_cast %get3A_422 : vector<16xi32> to vector<16xi32>
    %eq3A_424 = arith.cmpi eq, %get3A_423, %add3A_406 : vector<16xi32>
    %get3A_425 = arith.constant 160 : index
    %get3A_426 = tpu.vector_load %arg7[%get3A_425] {strides = array<i32>} : memref<256xi32, #tpu.memory_space<vmem>>, vector<16xi32>,
    %get3A_427 = vector.shape_cast %get3A_426 : vector<16xi32> to vector<16xi32>
    %sub3A_428 = vector.broadcast %mul3A_20 : i32 to vector<16xi32>
    %sub3A_429 = arith.subi %get3A_427, %sub3A_428 : vector<16xi32>
    %select_n3A_430 = arith.select %eq3A_424, %sub3A_429, %broadcast_in_dim3A_75 : vector<16xi1>, vector<16xi32>
    %swap3A_431 = arith.constant 160 : index
    %swap3A_432 = tpu.vector_load %arg11[%swap3A_431] {strides = array<i32>} : memref<256xi32, #tpu.memory_space<vmem>>, vector<16xi32>,
    %swap3A_433 = vector.shape_cast %swap3A_432 : vector<16xi32> to vector<16xi32>
    %swap3A_434 = vector.shape_cast %select_n3A_430 : vector<16xi32> to vector<16xi32>
    tpu.vector_store %arg11[%swap3A_431], %swap3A_434 {strides = array<i32>} : memref<256xi32, #tpu.memory_space<vmem>>, vector<16xi32>,
    %iota3A_435 = tpu.iota {dimensions = array<i32: 0>} : vector<16xi32>
    %add3A_436 = arith.constant 176 : i32
    %add3A_437 = arith.addi %mul3A_2, %add3A_436 : i32
    %add3A_438 = vector.broadcast %add3A_437 : i32 to vector<16xi32>
    %add3A_439 = arith.addi %iota3A_435, %add3A_438 : vector<16xi32>
    %get3A_440 = arith.constant 176 : index
    %get3A_441 = tpu.vector_load %arg8[%get3A_440] {strides = array<i32>} : memref<256xi32, #tpu.memory_space<vmem>>, vector<16xi32>,
    %get3A_442 = vector.shape_cast %get3A_441 : vector<16xi32> to vector<16xi32>
    %eq3A_443 = arith.cmpi eq, %get3A_442, %add3A_439 : vector<16xi32>
    %get3A_444 = arith.constant 176 : index
    %get3A_445 = tpu.vector_load %arg6[%get3A_444] {strides = array<i32>} : memref<256xi32, #tpu.memory_space<vmem>>, vector<16xi32>,
    %get3A_446 = vector.shape_cast %get3A_445 : vector<16xi32> to vector<16xi32>
    %sub3A_447 = vector.broadcast %mul3A_20 : i32 to vector<16xi32>
    %sub3A_448 = arith.subi %get3A_446, %sub3A_447 : vector<16xi32>
    %select_n3A_449 = arith.select %eq3A_443, %sub3A_448, %broadcast_in_dim3A_75 : vector<16xi1>, vector<16xi32>
    %swap3A_450 = arith.constant 176 : index
    %swap3A_451 = tpu.vector_load %arg10[%swap3A_450] {strides = array<i32>} : memref<256xi32, #tpu.memory_space<vmem>>, vector<16xi32>,
    %swap3A_452 = vector.shape_cast %swap3A_451 : vector<16xi32> to vector<16xi32>
    %swap3A_453 = vector.shape_cast %select_n3A_449 : vector<16xi32> to vector<16xi32>
    tpu.vector_store %arg10[%swap3A_450], %swap3A_453 {strides = array<i32>} : memref<256xi32, #tpu.memory_space<vmem>>, vector<16xi32>,
    %get3A_454 = arith.constant 176 : index
    %get3A_455 = tpu.vector_load %arg9[%get3A_454] {strides = array<i32>} : memref<256xi32, #tpu.memory_space<vmem>>, vector<16xi32>,
    %get3A_456 = vector.shape_cast %get3A_455 : vector<16xi32> to vector<16xi32>
    %eq3A_457 = arith.cmpi eq, %get3A_456, %add3A_439 : vector<16xi32>
    %get3A_458 = arith.constant 176 : index
    %get3A_459 = tpu.vector_load %arg7[%get3A_458] {strides = array<i32>} : memref<256xi32, #tpu.memory_space<vmem>>, vector<16xi32>,
    %get3A_460 = vector.shape_cast %get3A_459 : vector<16xi32> to vector<16xi32>
    %sub3A_461 = vector.broadcast %mul3A_20 : i32 to vector<16xi32>
    %sub3A_462 = arith.subi %get3A_460, %sub3A_461 : vector<16xi32>
    %select_n3A_463 = arith.select %eq3A_457, %sub3A_462, %broadcast_in_dim3A_75 : vector<16xi1>, vector<16xi32>
    %swap3A_464 = arith.constant 176 : index
    %swap3A_465 = tpu.vector_load %arg11[%swap3A_464] {strides = array<i32>} : memref<256xi32, #tpu.memory_space<vmem>>, vector<16xi32>,
    %swap3A_466 = vector.shape_cast %swap3A_465 : vector<16xi32> to vector<16xi32>
    %swap3A_467 = vector.shape_cast %select_n3A_463 : vector<16xi32> to vector<16xi32>
    tpu.vector_store %arg11[%swap3A_464], %swap3A_467 {strides = array<i32>} : memref<256xi32, #tpu.memory_space<vmem>>, vector<16xi32>,
    %iota3A_468 = tpu.iota {dimensions = array<i32: 0>} : vector<16xi32>
    %add3A_469 = arith.constant 192 : i32
    %add3A_470 = arith.addi %mul3A_2, %add3A_469 : i32
    %add3A_471 = vector.broadcast %add3A_470 : i32 to vector<16xi32>
    %add3A_472 = arith.addi %iota3A_468, %add3A_471 : vector<16xi32>
    %get3A_473 = arith.constant 192 : index
    %get3A_474 = tpu.vector_load %arg8[%get3A_473] {strides = array<i32>} : memref<256xi32, #tpu.memory_space<vmem>>, vector<16xi32>,
    %get3A_475 = vector.shape_cast %get3A_474 : vector<16xi32> to vector<16xi32>
    %eq3A_476 = arith.cmpi eq, %get3A_475, %add3A_472 : vector<16xi32>
    %get3A_477 = arith.constant 192 : index
    %get3A_478 = tpu.vector_load %arg6[%get3A_477] {strides = array<i32>} : memref<256xi32, #tpu.memory_space<vmem>>, vector<16xi32>,
    %get3A_479 = vector.shape_cast %get3A_478 : vector<16xi32> to vector<16xi32>
    %sub3A_480 = vector.broadcast %mul3A_20 : i32 to vector<16xi32>
    %sub3A_481 = arith.subi %get3A_479, %sub3A_480 : vector<16xi32>
    %select_n3A_482 = arith.select %eq3A_476, %sub3A_481, %broadcast_in_dim3A_75 : vector<16xi1>, vector<16xi32>
    %swap3A_483 = arith.constant 192 : index
    %swap3A_484 = tpu.vector_load %arg10[%swap3A_483] {strides = array<i32>} : memref<256xi32, #tpu.memory_space<vmem>>, vector<16xi32>,
    %swap3A_485 = vector.shape_cast %swap3A_484 : vector<16xi32> to vector<16xi32>
    %swap3A_486 = vector.shape_cast %select_n3A_482 : vector<16xi32> to vector<16xi32>
    tpu.vector_store %arg10[%swap3A_483], %swap3A_486 {strides = array<i32>} : memref<256xi32, #tpu.memory_space<vmem>>, vector<16xi32>,
    %get3A_487 = arith.constant 192 : index
    %get3A_488 = tpu.vector_load %arg9[%get3A_487] {strides = array<i32>} : memref<256xi32, #tpu.memory_space<vmem>>, vector<16xi32>,
    %get3A_489 = vector.shape_cast %get3A_488 : vector<16xi32> to vector<16xi32>
    %eq3A_490 = arith.cmpi eq, %get3A_489, %add3A_472 : vector<16xi32>
    %get3A_491 = arith.constant 192 : index
    %get3A_492 = tpu.vector_load %arg7[%get3A_491] {strides = array<i32>} : memref<256xi32, #tpu.memory_space<vmem>>, vector<16xi32>,
    %get3A_493 = vector.shape_cast %get3A_492 : vector<16xi32> to vector<16xi32>
    %sub3A_494 = vector.broadcast %mul3A_20 : i32 to vector<16xi32>
    %sub3A_495 = arith.subi %get3A_493, %sub3A_494 : vector<16xi32>
    %select_n3A_496 = arith.select %eq3A_490, %sub3A_495, %broadcast_in_dim3A_75 : vector<16xi1>, vector<16xi32>
    %swap3A_497 = arith.constant 192 : index
    %swap3A_498 = tpu.vector_load %arg11[%swap3A_497] {strides = array<i32>} : memref<256xi32, #tpu.memory_space<vmem>>, vector<16xi32>,
    %swap3A_499 = vector.shape_cast %swap3A_498 : vector<16xi32> to vector<16xi32>
    %swap3A_500 = vector.shape_cast %select_n3A_496 : vector<16xi32> to vector<16xi32>
    tpu.vector_store %arg11[%swap3A_497], %swap3A_500 {strides = array<i32>} : memref<256xi32, #tpu.memory_space<vmem>>, vector<16xi32>,
    %iota3A_501 = tpu.iota {dimensions = array<i32: 0>} : vector<16xi32>
    %add3A_502 = arith.constant 208 : i32
    %add3A_503 = arith.addi %mul3A_2, %add3A_502 : i32
    %add3A_504 = vector.broadcast %add3A_503 : i32 to vector<16xi32>
    %add3A_505 = arith.addi %iota3A_501, %add3A_504 : vector<16xi32>
    %get3A_506 = arith.constant 208 : index
    %get3A_507 = tpu.vector_load %arg8[%get3A_506] {strides = array<i32>} : memref<256xi32, #tpu.memory_space<vmem>>, vector<16xi32>,
    %get3A_508 = vector.shape_cast %get3A_507 : vector<16xi32> to vector<16xi32>
    %eq3A_509 = arith.cmpi eq, %get3A_508, %add3A_505 : vector<16xi32>
    %get3A_510 = arith.constant 208 : index
    %get3A_511 = tpu.vector_load %arg6[%get3A_510] {strides = array<i32>} : memref<256xi32, #tpu.memory_space<vmem>>, vector<16xi32>,
    %get3A_512 = vector.shape_cast %get3A_511 : vector<16xi32> to vector<16xi32>
    %sub3A_513 = vector.broadcast %mul3A_20 : i32 to vector<16xi32>
    %sub3A_514 = arith.subi %get3A_512, %sub3A_513 : vector<16xi32>
    %select_n3A_515 = arith.select %eq3A_509, %sub3A_514, %broadcast_in_dim3A_75 : vector<16xi1>, vector<16xi32>
    %swap3A_516 = arith.constant 208 : index
    %swap3A_517 = tpu.vector_load %arg10[%swap3A_516] {strides = array<i32>} : memref<256xi32, #tpu.memory_space<vmem>>, vector<16xi32>,
    %swap3A_518 = vector.shape_cast %swap3A_517 : vector<16xi32> to vector<16xi32>
    %swap3A_519 = vector.shape_cast %select_n3A_515 : vector<16xi32> to vector<16xi32>
    tpu.vector_store %arg10[%swap3A_516], %swap3A_519 {strides = array<i32>} : memref<256xi32, #tpu.memory_space<vmem>>, vector<16xi32>,
    %get3A_520 = arith.constant 208 : index
    %get3A_521 = tpu.vector_load %arg9[%get3A_520] {strides = array<i32>} : memref<256xi32, #tpu.memory_space<vmem>>, vector<16xi32>,
    %get3A_522 = vector.shape_cast %get3A_521 : vector<16xi32> to vector<16xi32>
    %eq3A_523 = arith.cmpi eq, %get3A_522, %add3A_505 : vector<16xi32>
    %get3A_524 = arith.constant 208 : index
    %get3A_525 = tpu.vector_load %arg7[%get3A_524] {strides = array<i32>} : memref<256xi32, #tpu.memory_space<vmem>>, vector<16xi32>,
    %get3A_526 = vector.shape_cast %get3A_525 : vector<16xi32> to vector<16xi32>
    %sub3A_527 = vector.broadcast %mul3A_20 : i32 to vector<16xi32>
    %sub3A_528 = arith.subi %get3A_526, %sub3A_527 : vector<16xi32>
    %select_n3A_529 = arith.select %eq3A_523, %sub3A_528, %broadcast_in_dim3A_75 : vector<16xi1>, vector<16xi32>
    %swap3A_530 = arith.constant 208 : index
    %swap3A_531 = tpu.vector_load %arg11[%swap3A_530] {strides = array<i32>} : memref<256xi32, #tpu.memory_space<vmem>>, vector<16xi32>,
    %swap3A_532 = vector.shape_cast %swap3A_531 : vector<16xi32> to vector<16xi32>
    %swap3A_533 = vector.shape_cast %select_n3A_529 : vector<16xi32> to vector<16xi32>
    tpu.vector_store %arg11[%swap3A_530], %swap3A_533 {strides = array<i32>} : memref<256xi32, #tpu.memory_space<vmem>>, vector<16xi32>,
    %iota3A_534 = tpu.iota {dimensions = array<i32: 0>} : vector<16xi32>
    %add3A_535 = arith.constant 224 : i32
    %add3A_536 = arith.addi %mul3A_2, %add3A_535 : i32
    %add3A_537 = vector.broadcast %add3A_536 : i32 to vector<16xi32>
    %add3A_538 = arith.addi %iota3A_534, %add3A_537 : vector<16xi32>
    %get3A_539 = arith.constant 224 : index
    %get3A_540 = tpu.vector_load %arg8[%get3A_539] {strides = array<i32>} : memref<256xi32, #tpu.memory_space<vmem>>, vector<16xi32>,
    %get3A_541 = vector.shape_cast %get3A_540 : vector<16xi32> to vector<16xi32>
    %eq3A_542 = arith.cmpi eq, %get3A_541, %add3A_538 : vector<16xi32>
    %get3A_543 = arith.constant 224 : index
    %get3A_544 = tpu.vector_load %arg6[%get3A_543] {strides = array<i32>} : memref<256xi32, #tpu.memory_space<vmem>>, vector<16xi32>,
    %get3A_545 = vector.shape_cast %get3A_544 : vector<16xi32> to vector<16xi32>
    %sub3A_546 = vector.broadcast %mul3A_20 : i32 to vector<16xi32>
    %sub3A_547 = arith.subi %get3A_545, %sub3A_546 : vector<16xi32>
    %select_n3A_548 = arith.select %eq3A_542, %sub3A_547, %broadcast_in_dim3A_75 : vector<16xi1>, vector<16xi32>
    %swap3A_549 = arith.constant 224 : index
    %swap3A_550 = tpu.vector_load %arg10[%swap3A_549] {strides = array<i32>} : memref<256xi32, #tpu.memory_space<vmem>>, vector<16xi32>,
    %swap3A_551 = vector.shape_cast %swap3A_550 : vector<16xi32> to vector<16xi32>
    %swap3A_552 = vector.shape_cast %select_n3A_548 : vector<16xi32> to vector<16xi32>
    tpu.vector_store %arg10[%swap3A_549], %swap3A_552 {strides = array<i32>} : memref<256xi32, #tpu.memory_space<vmem>>, vector<16xi32>,
    %get3A_553 = arith.constant 224 : index
    %get3A_554 = tpu.vector_load %arg9[%get3A_553] {strides = array<i32>} : memref<256xi32, #tpu.memory_space<vmem>>, vector<16xi32>,
    %get3A_555 = vector.shape_cast %get3A_554 : vector<16xi32> to vector<16xi32>
    %eq3A_556 = arith.cmpi eq, %get3A_555, %add3A_538 : vector<16xi32>
    %get3A_557 = arith.constant 224 : index
    %get3A_558 = tpu.vector_load %arg7[%get3A_557] {strides = array<i32>} : memref<256xi32, #tpu.memory_space<vmem>>, vector<16xi32>,
    %get3A_559 = vector.shape_cast %get3A_558 : vector<16xi32> to vector<16xi32>
    %sub3A_560 = vector.broadcast %mul3A_20 : i32 to vector<16xi32>
    %sub3A_561 = arith.subi %get3A_559, %sub3A_560 : vector<16xi32>
    %select_n3A_562 = arith.select %eq3A_556, %sub3A_561, %broadcast_in_dim3A_75 : vector<16xi1>, vector<16xi32>
    %swap3A_563 = arith.constant 224 : index
    %swap3A_564 = tpu.vector_load %arg11[%swap3A_563] {strides = array<i32>} : memref<256xi32, #tpu.memory_space<vmem>>, vector<16xi32>,
    %swap3A_565 = vector.shape_cast %swap3A_564 : vector<16xi32> to vector<16xi32>
    %swap3A_566 = vector.shape_cast %select_n3A_562 : vector<16xi32> to vector<16xi32>
    tpu.vector_store %arg11[%swap3A_563], %swap3A_566 {strides = array<i32>} : memref<256xi32, #tpu.memory_space<vmem>>, vector<16xi32>,
    %iota3A_567 = tpu.iota {dimensions = array<i32: 0>} : vector<16xi32>
    %add3A_568 = arith.constant 240 : i32
    %add3A_569 = arith.addi %mul3A_2, %add3A_568 : i32
    %add3A_570 = vector.broadcast %add3A_569 : i32 to vector<16xi32>
    %add3A_571 = arith.addi %iota3A_567, %add3A_570 : vector<16xi32>
    %get3A_572 = arith.constant 240 : index
    %get3A_573 = tpu.vector_load %arg8[%get3A_572] {strides = array<i32>} : memref<256xi32, #tpu.memory_space<vmem>>, vector<16xi32>,
    %get3A_574 = vector.shape_cast %get3A_573 : vector<16xi32> to vector<16xi32>
    %eq3A_575 = arith.cmpi eq, %get3A_574, %add3A_571 : vector<16xi32>
    %get3A_576 = arith.constant 240 : index
    %get3A_577 = tpu.vector_load %arg6[%get3A_576] {strides = array<i32>} : memref<256xi32, #tpu.memory_space<vmem>>, vector<16xi32>,
    %get3A_578 = vector.shape_cast %get3A_577 : vector<16xi32> to vector<16xi32>
    %sub3A_579 = vector.broadcast %mul3A_20 : i32 to vector<16xi32>
    %sub3A_580 = arith.subi %get3A_578, %sub3A_579 : vector<16xi32>
    %select_n3A_581 = arith.select %eq3A_575, %sub3A_580, %broadcast_in_dim3A_75 : vector<16xi1>, vector<16xi32>
    %swap3A_582 = arith.constant 240 : index
    %swap3A_583 = tpu.vector_load %arg10[%swap3A_582] {strides = array<i32>} : memref<256xi32, #tpu.memory_space<vmem>>, vector<16xi32>,
    %swap3A_584 = vector.shape_cast %swap3A_583 : vector<16xi32> to vector<16xi32>
    %swap3A_585 = vector.shape_cast %select_n3A_581 : vector<16xi32> to vector<16xi32>
    tpu.vector_store %arg10[%swap3A_582], %swap3A_585 {strides = array<i32>} : memref<256xi32, #tpu.memory_space<vmem>>, vector<16xi32>,
    %get3A_586 = arith.constant 240 : index
    %get3A_587 = tpu.vector_load %arg9[%get3A_586] {strides = array<i32>} : memref<256xi32, #tpu.memory_space<vmem>>, vector<16xi32>,
    %get3A_588 = vector.shape_cast %get3A_587 : vector<16xi32> to vector<16xi32>
    %eq3A_589 = arith.cmpi eq, %get3A_588, %add3A_571 : vector<16xi32>
    %get3A_590 = arith.constant 240 : index
    %get3A_591 = tpu.vector_load %arg7[%get3A_590] {strides = array<i32>} : memref<256xi32, #tpu.memory_space<vmem>>, vector<16xi32>,
    %get3A_592 = vector.shape_cast %get3A_591 : vector<16xi32> to vector<16xi32>
    %sub3A_593 = vector.broadcast %mul3A_20 : i32 to vector<16xi32>
    %sub3A_594 = arith.subi %get3A_592, %sub3A_593 : vector<16xi32>
    %select_n3A_595 = arith.select %eq3A_589, %sub3A_594, %broadcast_in_dim3A_75 : vector<16xi1>, vector<16xi32>
    %swap3A_596 = arith.constant 240 : index
    %swap3A_597 = tpu.vector_load %arg11[%swap3A_596] {strides = array<i32>} : memref<256xi32, #tpu.memory_space<vmem>>, vector<16xi32>,
    %swap3A_598 = vector.shape_cast %swap3A_597 : vector<16xi32> to vector<16xi32>
    %swap3A_599 = vector.shape_cast %select_n3A_595 : vector<16xi32> to vector<16xi32>
    tpu.vector_store %arg11[%swap3A_596], %swap3A_599 {strides = array<i32>} : memref<256xi32, #tpu.memory_space<vmem>>, vector<16xi32>,
    %dma_start3A_600 = tpu.memref_slice %arg4[%mul3A_2] : memref<8192xi32, #tpu.memory_space<hbm>> -> memref<256xi32, #tpu.memory_space<hbm>>
    %dma_start3A_601 = tpu.memref_slice %arg4[%mul3A_2] : memref<8192xi32, #tpu.memory_space<hbm>> -> memref<256xi32, #tpu.memory_space<hbm>>
    tpu.enqueue_dma source(%arg10 : memref<256xi32, #tpu.memory_space<vmem>>) target(%dma_start3A_601 : memref<256xi32, #tpu.memory_space<hbm>>) target_semaphore(%arg14 : memref<!tpu.dma_semaphore, #tpu.memory_space<semaphore_mem>>)
    %dma_start3A_602 = tpu.memref_slice %arg5[%mul3A_2] : memref<8192xi32, #tpu.memory_space<hbm>> -> memref<256xi32, #tpu.memory_space<hbm>>
    %dma_start3A_603 = tpu.memref_slice %arg5[%mul3A_2] : memref<8192xi32, #tpu.memory_space<hbm>> -> memref<256xi32, #tpu.memory_space<hbm>>
    tpu.enqueue_dma source(%arg11 : memref<256xi32, #tpu.memory_space<vmem>>) target(%dma_start3A_603 : memref<256xi32, #tpu.memory_space<hbm>>) target_semaphore(%arg14 : memref<!tpu.dma_semaphore, #tpu.memory_space<semaphore_mem>>)
    %dma_wait3A_604 = tpu.memref_slice %arg4[%mul3A_2] : memref<8192xi32, #tpu.memory_space<hbm>> -> memref<256xi32, #tpu.memory_space<hbm>>
    %dma_wait3A_605 = tpu.memref_slice %arg4[%mul3A_2] : memref<8192xi32, #tpu.memory_space<hbm>> -> memref<256xi32, #tpu.memory_space<hbm>>
    tpu.wait_dma2 semaphore(%arg14 : memref<!tpu.dma_semaphore, #tpu.memory_space<semaphore_mem>>) src(%arg10 : memref<256xi32, #tpu.memory_space<vmem>>) dst(%dma_wait3A_605 : memref<256xi32, #tpu.memory_space<hbm>>)
    %dma_wait3A_606 = tpu.memref_slice %arg5[%mul3A_2] : memref<8192xi32, #tpu.memory_space<hbm>> -> memref<256xi32, #tpu.memory_space<hbm>>
    %dma_wait3A_607 = tpu.memref_slice %arg5[%mul3A_2] : memref<8192xi32, #tpu.memory_space<hbm>> -> memref<256xi32, #tpu.memory_space<hbm>>
    tpu.wait_dma2 semaphore(%arg14 : memref<!tpu.dma_semaphore, #tpu.memory_space<semaphore_mem>>) src(%arg11 : memref<256xi32, #tpu.memory_space<vmem>>) dst(%dma_wait3A_607 : memref<256xi32, #tpu.memory_space<hbm>>)
    return
  }
}

module attributes {stable_mosaic.version = 14 : i64} {
  func.func @_tc_body(%arg0: i32, %arg1: memref<1x2048x256xf32, #tpu.memory_space<vmem>>, %arg2: memref<1x2048x256xf32, #tpu.memory_space<vmem>>, %arg3: memref<16x128xi32, #tpu.memory_space<vmem>>, %arg4: memref<16x128xf32, #tpu.memory_space<vmem>>, %arg5: memref<16x128xi32, #tpu.memory_space<vmem>>, %arg6: memref<16x128xf32, #tpu.memory_space<vmem>>) attributes {dimension_semantics = [#tpu.dimension_semantics<arbitrary>], iteration_bounds = array<i64: 4>, scalar_prefetch = 0 : i64, scratch_operands = 0 : i64, tpu.core_type = #tpu.core_type<tc>, window_params = [{transform_indices = @transform_0, window_bounds = array<i64: 1, 2048, 256>}, {transform_indices = @transform_1, window_bounds = array<i64: 1, 2048, 256>}, {transform_indices = @transform_2, window_bounds = array<i64: 16, 128>}, {transform_indices = @transform_3, window_bounds = array<i64: 16, 128>}, {transform_indices = @transform_4, window_bounds = array<i64: 16, 128>}, {transform_indices = @transform_5, window_bounds = array<i64: 16, 128>}]} {
    %get3A = arith.constant 0 : index
    %get3A_0 = arith.constant 0 : index
    %get3A_1 = arith.constant 0 : index
    %get3A_2 = vector.load %arg1[%get3A, %get3A_0, %get3A_1] : memref<1x2048x256xf32, #tpu.memory_space<vmem>>, vector<1x2048x256xf32>
    %get3A_3 = vector.shape_cast %get3A_2 : vector<1x2048x256xf32> to vector<2048x256xf32>
    %convert_element_type3A = arith.truncf %get3A_3 : vector<2048x256xf32> to vector<2048x256xbf16>
    %get3A_4 = arith.constant 0 : index
    %get3A_5 = arith.constant 0 : index
    %get3A_6 = arith.constant 0 : index
    %get3A_7 = vector.load %arg2[%get3A_4, %get3A_5, %get3A_6] : memref<1x2048x256xf32, #tpu.memory_space<vmem>>, vector<1x2048x256xf32>
    %get3A_8 = vector.shape_cast %get3A_7 : vector<1x2048x256xf32> to vector<2048x256xf32>
    %convert_element_type3A_9 = arith.truncf %get3A_8 : vector<2048x256xf32> to vector<2048x256xbf16>
    %dot_general3A = arith.constant dense<0.000000e+00> : vector<2048x2048xf32>
    %dot_general3A_10 = tpu.matmul %convert_element_type3A, %convert_element_type3A_9, %dot_general3A {dimension_numbers = #tpu.dot_dimension_numbers<[1], [1], [0], [0], [0, 0, 1, 0], [], []>, transpose_lhs_hint = false} : vector<2048x256xbf16>, vector<2048x256xbf16>, vector<2048x2048xf32> -> vector<2048x2048xf32>
    %dot_general3A_11 = arith.constant dense<0.000000e+00> : vector<2048x2048xf32>
    %dot_general3A_12 = tpu.matmul %convert_element_type3A_9, %convert_element_type3A, %dot_general3A_11 {dimension_numbers = #tpu.dot_dimension_numbers<[1], [1], [0], [0], [0, 0, 1, 0], [], []>, transpose_lhs_hint = false} : vector<2048x256xbf16>, vector<2048x256xbf16>, vector<2048x2048xf32> -> vector<2048x2048xf32>
    %argmax3A = tpu.reduce_index %dot_general3A_12 {axis = 0 : i32, kind = #tpu.reduction_kind<arg_max>} : vector<2048x2048xf32> -> vector<2048xi32>
    %mul3A = arith.constant 2048 : i32
    %mul3A_13 = arith.muli %arg0, %mul3A : i32
    %add3A = vector.broadcast %mul3A_13 : i32 to vector<2048xi32>
    %add3A_14 = arith.addi %argmax3A, %add3A : vector<2048xi32>
    %reshape3A = vector.shape_cast %add3A_14 : vector<2048xi32> to vector<16x128xi32>
    %swap3A = arith.constant 0 : index
    %swap3A_15 = arith.constant 0 : index
    %swap3A_16 = vector.load %arg3[%swap3A, %swap3A_15] : memref<16x128xi32, #tpu.memory_space<vmem>>, vector<16x128xi32>
    tpu.vector_store %arg3[%swap3A, %swap3A_15], %reshape3A {strides = array<i32>} : memref<16x128xi32, #tpu.memory_space<vmem>>, vector<16x128xi32>,
    %reduce_max3A = arith.constant dense<0xFF800000> : vector<2048xf32>
    %reduce_max3A_17 = vector.multi_reduction <maximumf>, %dot_general3A_12, %reduce_max3A [0] : vector<2048x2048xf32> to vector<2048xf32>
    %sub3A = arith.constant 1.000000e+00 : f32
    %sub3A_18 = vector.broadcast %sub3A : f32 to vector<2048xf32>
    %sub3A_19 = arith.subf %sub3A_18, %reduce_max3A_17 : vector<2048xf32>
    %jit3A = arith.constant 9.99999997E-7 : f32
    %max3A = vector.broadcast %jit3A : f32 to vector<2048xf32>
    %max3A_20 = arith.maximumf %max3A, %sub3A_19 : vector<2048xf32>
    %sqrt3A = math.sqrt %max3A_20 : vector<2048xf32>
    %mul3A_21 = arith.constant 1.41421294 : f32
    %mul3A_22 = vector.broadcast %mul3A_21 : f32 to vector<2048xf32>
    %mul3A_23 = arith.mulf %mul3A_22, %sqrt3A : vector<2048xf32>
    %add3A_24 = arith.constant 1.000000e+00 : f32
    %add3A_25 = vector.broadcast %add3A_24 : f32 to vector<2048xf32>
    %add3A_26 = arith.addf %add3A_25, %mul3A_23 : vector<2048xf32>
    %div3A = arith.constant 1.000000e+00 : f32
    %div3A_27 = vector.broadcast %div3A : f32 to vector<2048xf32>
    %div3A_28 = arith.divf %div3A_27, %add3A_26 : vector<2048xf32>
    %reshape3A_29 = vector.shape_cast %div3A_28 : vector<2048xf32> to vector<16x128xf32>
    %swap3A_30 = arith.constant 0 : index
    %swap3A_31 = arith.constant 0 : index
    %swap3A_32 = vector.load %arg4[%swap3A_30, %swap3A_31] : memref<16x128xf32, #tpu.memory_space<vmem>>, vector<16x128xf32>
    tpu.vector_store %arg4[%swap3A_30, %swap3A_31], %reshape3A_29 {strides = array<i32>} : memref<16x128xf32, #tpu.memory_space<vmem>>, vector<16x128xf32>,
    %argmax3A_33 = tpu.reduce_index %dot_general3A_10 {axis = 0 : i32, kind = #tpu.reduction_kind<arg_max>} : vector<2048x2048xf32> -> vector<2048xi32>
    %mul3A_34 = arith.constant 2048 : i32
    %mul3A_35 = arith.muli %arg0, %mul3A_34 : i32
    %add3A_36 = vector.broadcast %mul3A_35 : i32 to vector<2048xi32>
    %add3A_37 = arith.addi %argmax3A_33, %add3A_36 : vector<2048xi32>
    %reshape3A_38 = vector.shape_cast %add3A_37 : vector<2048xi32> to vector<16x128xi32>
    %swap3A_39 = arith.constant 0 : index
    %swap3A_40 = arith.constant 0 : index
    %swap3A_41 = vector.load %arg5[%swap3A_39, %swap3A_40] : memref<16x128xi32, #tpu.memory_space<vmem>>, vector<16x128xi32>
    tpu.vector_store %arg5[%swap3A_39, %swap3A_40], %reshape3A_38 {strides = array<i32>} : memref<16x128xi32, #tpu.memory_space<vmem>>, vector<16x128xi32>,
    %reduce_max3A_42 = arith.constant dense<0xFF800000> : vector<2048xf32>
    %reduce_max3A_43 = vector.multi_reduction <maximumf>, %dot_general3A_10, %reduce_max3A_42 [0] : vector<2048x2048xf32> to vector<2048xf32>
    %sub3A_44 = arith.constant 1.000000e+00 : f32
    %sub3A_45 = vector.broadcast %sub3A_44 : f32 to vector<2048xf32>
    %sub3A_46 = arith.subf %sub3A_45, %reduce_max3A_43 : vector<2048xf32>
    %jit3A_47 = arith.constant 9.99999997E-7 : f32
    %max3A_48 = vector.broadcast %jit3A_47 : f32 to vector<2048xf32>
    %max3A_49 = arith.maximumf %max3A_48, %sub3A_46 : vector<2048xf32>
    %sqrt3A_50 = math.sqrt %max3A_49 : vector<2048xf32>
    %mul3A_51 = arith.constant 1.41421294 : f32
    %mul3A_52 = vector.broadcast %mul3A_51 : f32 to vector<2048xf32>
    %mul3A_53 = arith.mulf %mul3A_52, %sqrt3A_50 : vector<2048xf32>
    %add3A_54 = arith.constant 1.000000e+00 : f32
    %add3A_55 = vector.broadcast %add3A_54 : f32 to vector<2048xf32>
    %add3A_56 = arith.addf %add3A_55, %mul3A_53 : vector<2048xf32>
    %div3A_57 = arith.constant 1.000000e+00 : f32
    %div3A_58 = vector.broadcast %div3A_57 : f32 to vector<2048xf32>
    %div3A_59 = arith.divf %div3A_58, %add3A_56 : vector<2048xf32>
    %reshape3A_60 = vector.shape_cast %div3A_59 : vector<2048xf32> to vector<16x128xf32>
    %swap3A_61 = arith.constant 0 : index
    %swap3A_62 = arith.constant 0 : index
    %swap3A_63 = vector.load %arg6[%swap3A_61, %swap3A_62] : memref<16x128xf32, #tpu.memory_space<vmem>>, vector<16x128xf32>
    tpu.vector_store %arg6[%swap3A_61, %swap3A_62], %reshape3A_60 {strides = array<i32>} : memref<16x128xf32, #tpu.memory_space<vmem>>, vector<16x128xf32>,
    return
  }
  func.func @transform_0(%arg0: i32) -> (i32, i32, i32) {
    %c0_i32 = arith.constant 0 : i32
    %c0_i32_0 = arith.constant 0 : i32
    %c0_i32_1 = arith.constant 0 : i32
    return %arg0, %c0_i32, %c0_i32_0 : i32, i32, i32
  }
  func.func @transform_1(%arg0: i32) -> (i32, i32, i32) {
    %c0_i32 = arith.constant 0 : i32
    %c0_i32_0 = arith.constant 0 : i32
    %c0_i32_1 = arith.constant 0 : i32
    return %arg0, %c0_i32, %c0_i32_0 : i32, i32, i32
  }
  func.func @transform_2(%arg0: i32) -> (i32, i32) {
    %c0_i32 = arith.constant 0 : i32
    %c0_i32_0 = arith.constant 0 : i32
    return %arg0, %c0_i32 : i32, i32
  }
  func.func @transform_3(%arg0: i32) -> (i32, i32) {
    %c0_i32 = arith.constant 0 : i32
    %c0_i32_0 = arith.constant 0 : i32
    return %arg0, %c0_i32 : i32, i32
  }
  func.func @transform_4(%arg0: i32) -> (i32, i32) {
    %c0_i32 = arith.constant 0 : i32
    %c0_i32_0 = arith.constant 0 : i32
    return %arg0, %c0_i32 : i32, i32
  }
  func.func @transform_5(%arg0: i32) -> (i32, i32) {
    %c0_i32 = arith.constant 0 : i32
    %c0_i32_0 = arith.constant 0 : i32
    return %arg0, %c0_i32 : i32, i32
  }
}

</mosaic_0001>

<sc_bundles>
// kernel: kernel.4.cloned.1.call-start
scs
__scs_entry_jumppad:
0x0: {  	(pc) =	sbr.rel $0x88, $3  }
0x1: {  	(tag) =	ssettag $0x0;
	lr =	simm.s32 $0x1  }
0x2: {  	[smem:$0x3F9F] =	sst lr;
	_ =	strace $0xD0000000  }
0x3: {  	_ = 	snop  }
0x4: {  	_ = 	snop  }
0x5: {  	_ = 	snop  }
0x6: {  	_ = 	snop  }
0x7: {  	_ = 	snop  }
__scs_overlays_trampoline_lowered:
0x8: {  	[smem:$0x3FAE] =	sst s0  }
0x9: {  	[smem:$0x3FAF] =	sst s1  }
0xa: {  	[smem:$0x3FB0] =	sst s2  }
0xb: {  	[smem:$0x3FB1] =	sst s3  }
0xc: {  	[smem:$0x3FB2] =	sst s4  }
0xd: {  	[smem:$0x3FB3] =	sst s5  }
0xe: {  	[smem:$0x3FB4] =	sst s6  }
0xf: {  	[smem:$0x3FB5] =	sst s7  }
0x10: {  	[smem:$0x3FB6] =	sst s8  }
0x11: {  	[smem:$0x3FB7] =	sst s9;
	s0 =	simm.s32 @!p0 $0x0  }
0x12: {  	s1 =	sld [smem:$0x3F9D];
	s0 =	simm.s32 @p0 $0x1  }
0x13: {  	[smem:$0x3FB8] =	sst s0;
	s0 =	simm.s32 @!p1 $0x0  }
0x14: {  	s2 =	sld [smem:$0x3F9C];
	s0 =	simm.s32 @p1 $0x1  }
0x15: {  	[smem:$0x3FB9] =	sst s0;
	s0 =	simm.s32 @!p2 $0x0  }
0x16: {  	s3 =	sld [smem:$0x3FDB];
	s0 =	simm.s32 @p2 $0x1  }
0x17: {  	s4 =	simm.s32 $0x1BF5;
	[smem:$0x3FBB] =	sst s0  }
0x18: {  	s0 =	sld [smem:$0x3F9E];
	_ =	swait.ge [sflag:s4], $0x0  }
0x19: {  	s7 =	sld [smem:$0x3F9F]  }
0x1a: {  	s8 =	sadd.s32 $0xFFFFE003, lr  }
0x1b: {  	s9 =	sadd.s32 $0xFFFFFEF7, lr;
	s5 =	simm.s32 $0xFFFFFFFF;
	p2 =	slt.u32 s8, $0xFFFFF086  }
0x1c: {  	p1 =	slt.u32 s9, $0xF7A;
	s5 =	simm.s32 @!p2 $0x0  }
0x1d: {  	s5 =	simm.s32 @p1 $0x1;
	p0 =	seq.s32 s7, s2  }
0x1e: {  	s7 =	smul.u32 @!p0 $0xF7A, s2;
	p2 =	seq.s32 @!p0 s5, $0x0  }
0x1f: {  	s9 =	smul.u32 $0xF7A, s1;
	s8 =	simm.s32 @!p0 $0x1BF5;
	p2 =	por !p2, p0  }
0x20: {  	[sflag:s8] =	ssyncset.s32 @!p0 $0xFFFFF086;
	s6 =	sadd.s32 @!p0 s3, s7;
	s7 =	simm.s32 @!p0 $0x108  }
0x21: {  	s3 =	sadd.s32 s3, s9;
	s6 =	sadd.s32 @!p0 $0x88, s6;
	s7 =	simm.s32 @p2 $0x1082  }
0x22: {  	[simem:s7], [sflag:s8] =	dma.local @!p0 [hbm:s6], $0xF7A  }
0x23: {  	s9 =	sor.u32 $0xD0000000, s2;
	s6 =	simm.s32 $0x108;
	_ =	swait.ge @!p0 [sflag:s8], $0x0  }
0x24: {  	s3 =	sadd.s32 $0x88, s3;
	s6 =	simm.s32 @!p1 $0x1082;
	[sflag:s4] =	ssyncset.s32 $0xFFFFF086  }
0x25: {  	[simem:s6], [sflag:s4] =	dma.local [hbm:s3], $0xF7A  }
0x26: {  	[smem:$0x3F9F] =	sst s1;
	(tag) =	ssettag s2;
	_ =	strace s9  }
0x27: {  	s1 =	sld [smem:$0x3FAF]  }
0x28: {  	s2 =	sld [smem:$0x3FB0]  }
0x29: {  	s4 =	sld [smem:$0x3FB2]  }
0x2a: {  	p0 =	seq.s32 s5, $0x0;
	s5 =	sld [smem:$0x3FB3]  }
0x2b: {  	s6 =	sld [smem:$0x3FB4]  }
0x2c: {  	s7 =	sld [smem:$0x3FB5]  }
0x2d: {  	s3 =	simm.s32 $0x108;
	s8 =	sld [smem:$0x3FB6]  }
0x2e: {  	s3 =	simm.s32 @!p0 $0x1082;
	s9 =	sld [smem:$0x3FB7]  }
0x2f: {  	lr =	sadd.s32 s0, s3;
	s0 =	sld [smem:$0x3FAE]  }
0x30: {  	s3 =	sld [smem:$0x3FB1]  }
0x31: {  	[smem:$0x3FBA] =	sst s10  }
0x32: {  	s10 =	sld [smem:$0x3FB8];
	_ =	sdelay $0x3  }
0x33: {  	p0 =	seq.s32 s10, $0x1;
	s10 =	sld [smem:$0x3FBA];
	_ =	sdelay $0x3  }
0x34: {  	[smem:$0x3FBA] =	sst s10  }
0x35: {  	s10 =	sld [smem:$0x3FB9];
	_ =	sdelay $0x3  }
0x36: {  	p1 =	seq.s32 s10, $0x1;
	s10 =	sld [smem:$0x3FBA];
	_ =	sdelay $0x3  }
0x37: {  	[smem:$0x3FBA] =	sst s10  }
0x38: {  	s10 =	sld [smem:$0x3FBB]  }
0x39: {  	_ = 	snop;
	(pc) =	sbr.ind lr, $3  }
0x3a: {  	_ = 	snop  }
0x3b: {  	_ = 	snop  }
0x3c: {  	p2 =	seq.s32 s10, $0x1;
	s10 =	sld [smem:$0x3FBA]  }
0x3d: {  	_ =	shalt  }
0x3e: {  	_ =	shalt  }
0x3f: {  	_ =	shalt  }
0x40: {  	_ =	shalt  }
0x41: {  	_ =	shalt  }
0x42: {  	_ =	shalt  }
0x43: {  	_ =	shalt  }
0x44: {  	_ =	shalt  }
0x45: {  	_ =	shalt  }
0x46: {  	_ =	shalt  }
0x47: {  	_ =	shalt  }
0x48: {  	_ =	shalt  }
0x49: {  	_ =	shalt  }
0x4a: {  	_ =	shalt  }
0x4b: {  	_ =	shalt  }
0x4c: {  	_ =	shalt  }
0x4d: {  	_ =	shalt  }
0x4e: {  	_ =	shalt  }
0x4f: {  	_ =	shalt  }
0x50: {  	_ =	shalt  }
0x51: {  	_ =	shalt  }
0x52: {  	_ =	shalt  }
0x53: {  	_ =	shalt  }
0x54: {  	_ =	shalt  }
0x55: {  	_ =	shalt  }
0x56: {  	_ =	shalt  }
0x57: {  	_ =	shalt  }
0x58: {  	_ =	shalt  }
0x59: {  	_ =	shalt  }
0x5a: {  	_ =	shalt  }
0x5b: {  	_ =	shalt  }
0x5c: {  	_ =	shalt  }
0x5d: {  	_ =	shalt  }
0x5e: {  	_ =	shalt  }
0x5f: {  	_ =	shalt  }
0x60: {  	_ =	shalt  }
0x61: {  	_ =	shalt  }
0x62: {  	_ =	shalt  }
0x63: {  	_ =	shalt  }
0x64: {  	_ =	shalt  }
0x65: {  	_ =	shalt  }
0x66: {  	_ =	shalt  }
0x67: {  	_ =	shalt  }
0x68: {  	_ =	shalt  }
0x69: {  	_ =	shalt  }
0x6a: {  	_ =	shalt  }
0x6b: {  	_ =	shalt  }
0x6c: {  	_ =	shalt  }
0x6d: {  	_ =	shalt  }
0x6e: {  	_ =	shalt  }
0x6f: {  	_ =	shalt  }
0x70: {  	_ =	shalt  }
0x71: {  	_ =	shalt  }
0x72: {  	_ =	shalt  }
0x73: {  	_ =	shalt  }
0x74: {  	_ =	shalt  }
0x75: {  	_ =	shalt  }
0x76: {  	_ =	shalt  }
0x77: {  	_ =	shalt  }
0x78: {  	_ =	shalt  }
0x79: {  	_ =	shalt  }
0x7a: {  	_ =	shalt  }
0x7b: {  	_ =	shalt  }
0x7c: {  	_ =	shalt  }
0x7d: {  	_ =	shalt  }
0x7e: {  	_ =	shalt  }
0x7f: {  	_ =	shalt  }
0x80: {  	_ =	shalt  }
0x81: {  	_ =	shalt  }
0x82: {  	_ =	shalt  }
0x83: {  	_ =	shalt  }
0x84: {  	_ =	shalt  }
0x85: {  	_ =	shalt  }
0x86: {  	_ =	shalt  }
0x87: {  	_ =	shalt  }
.Lfunc_end0:
.L_simem_size_0:
called_computation_lowered:
.L_overlay_start_0:
0x88: {  	s2 =	sld [smem:$0x3FD9]  }
0x89: {  	s3 =	sld [smem:$0x3FFE];
	_ =	sdelay $0x1  }
0x8a: {  	s1 =	srdreg.scid  }
0x8b: {  	s0 =	sand.u32 $0x1, s1  }
0x8c: {  	s14 =	sshll.u32 s0, $0xA;
	s2 =	sadd.s32 s3, s2  }
0x8d: {  	s2 =	sadd.s32 s2, s14  }
0x8e: {  	[smem:$0x3FC6] =	sst s2  }
0x8f: {  	_ = 	snop  }
0x90: {  	s2 =	sld [smem:$0x3FD0];
	_ =	sdelay $0x2  }
0x91: {  	s15 =	simm.s32 $0xA;
	s4 =	simm.s32 $0x10  }
0x92: {  	[smem:s4], [sflag:s15] =	dma.local [hbm:s2], $0x1  }
0x93: {  	_ =	swait.eq [sflag:s15], $0x1  }
0x94: {  	s16 =	sld [smem:$0x11];
	[sflag:s15] =	ssyncset.done $0x0  }
0x95: {  	s17 =	sld [smem:$0x12];
	[sflag:s15] =	ssyncadd.s32 $0xFFFFFFFF  }
0x96: {  	s18 =	sld [smem:$0x13];
	(tm) =	ssettm $0x1  }
0x97: {  	s5 =	sld [smem:$0x3FFB];
	_ =	sdelay $0x3  }
0x98: {  	_ =	strace s5  }
0x99: {  	s5 =	sld [smem:$0x3FFC];
	_ =	sdelay $0x3  }
0x9a: {  	_ =	strace s5  }
0x9b: {  	s5 =	sld [smem:$0x3FFD];
	_ =	sdelay $0x3  }
0x9c: {  	_ =	strace s5  }
0x9d: {  	_ =	strace $0x8FFFFFFF  }
0x9e: {  	s19 =	sld [smem:$0x3FDB];
	_ =	sdelay $0x1  }
0x9f: {  	s6 =	simm.s32 $_scs_section_size  }
0xa0: {  	s7 =	simm.s32 $_size__tile_overlayer_lowered;
	s8 =	simm.s32 $_tile_overlayer_lowered  }
0xa1: {  	s22 =	simm.s32 $0x1BFF;
	s21 =	sshll.u32 s8, $0x1;
	s5 =	sadd.s32 s6, s19  }
0xa2: {  	s9 =	simm.s32 $0x0;
	s20 =	sshll.u32 s7, $0x1;
	s7 =	sadd.s32 s21, s5  }
0xa3: {  	[timem:s9], [sflag:s22] =	dma.local [hbm:s7], s20  }
0xa4: {  	_ =	swait.ge [sflag:s22], s20  }
0xa5: {  	s6 =	ssub.s32 $0x0, s20;
	[sflag:s22] =	ssyncset.done $0x0  }
0xa6: {  	[sflag:s22] =	ssyncadd.s32 s6;
	_ =	sdelay $0x1  }
0xa7: {  	s23 =	simm.s32 $0x1B8B  }
0xa8: {  	_ =	swait.ge [sflag:s23], $0x1  }
0xa9: {  	[sflag:s23] =	ssyncset.done $0x0  }
0xaa: {  	s25 =	simm.s32 $0x1B8E;
	s24 =	sld [smem:$0x3FFE];
	[sflag:s23] =	ssyncadd.s32 $0xFFFFFFFF  }
0xab: {  	s26 =	simm.s32 $execute0_lowered;
	[smem:$0x3FD2] =	sst s25  }
0xac: {  	s7 =	sshll.u32 s26, $0x1;
	_ =	strace $0x80000046;
	[dreg:$0x1] =	wrdreg $0xFFFFFFFF  }
0xad: {  	s28 =	simm.s32 $_size_execute0_lowered;
	s5 =	sadd.s32 s5, s7;
	[dreg:$0x0] =	wrdreg $0x0  }
0xae: {  	s7 =	sshll.u32 s28, $0x1;
	[dreg:$0x2] =	wrdreg s5  }
0xaf: {  	[dreg:$0x3] =	wrdreg s7  }
0xb0: {  	[dreg:$0x4] =	wrdreg $0xC0  }
0xb1: {  	_ =	task [dreg:s9], $0x5FFFF  }
0xb2: {  	[dreg:$0x1] =	wrdreg $0xFFFFFFFF  }
0xb3: {  	[dreg:$0x0] =	wrdreg $0x60  }
0xb4: {  	[dreg:$0x2] =	wrdreg s17  }
0xb5: {  	[dreg:$0x3] =	wrdreg s18  }
0xb6: {  	[dreg:$0x4] =	wrdreg s16  }
0xb7: {  	[dreg:$0x5] =	wrdreg s24  }
0xb8: {  	[dreg:$0x6] =	wrdreg $0x9  }
0xb9: {  	_ =	task.clear_ibuf [dreg:s9], $0x7FFFF;
	_ =	strace $0x90000046  }
0xba: {  	s29 =	simm.s32 $0x9;
	_ =	strace $0x80000048  }
0xbb: {  	_ =	swait.ge [sflag:s29], $0x1  }
0xbc: {  	[sflag:s29] =	ssyncadd.s32 $0xFFFFFFFF  }
0xbd: {  	_ =	strace $0x90000048  }
0xbe: {  	_ =	sfence  }
0xbf: {  	s30 =	sld [smem:$0x0];
	_ =	sdelay $0x2  }
0xc0: {  	s31 =	sshll.u32 s1, $0xD;
	s1 =	sshrl.u32 s1, $0x2  }
0xc1: {  	s3 =	sand.u32 $0x4000, s31;
	s1 =	sadd.s32 s1, s30  }
0xc2: {  	s0 =	sor.u32 s3, s0;
	s1 =	sshll.u32 s1, $0x11  }
0xc3: {  	s0 =	sor.u32 s1, s0  }
0xc4: {  	s0 =	sadd.s32 $0x8F2B, s0  }
0xc5: {  	[sflag:s0] =	ssyncadd.remote.s32 $0x1  }
0xc6: {  	_ =	sfence.sel $0xFFFF  }
0xc7: {  	[dreg:$0x0] =	wrdreg $0xFFFFFFFF;
	(pc) =	sbr.abs _section_cstart, $3  }
0xc8: {  	[dreg:$0x1] =	wrdreg $0xFFFFFFFF  }
0xc9: {  	_ =	task.clear_ibuf [dreg:s9], $0x2FFFF;
	_ =	strace $0x9FFFFFFF  }
0xca: {  	(tm) =	ssettm $0x7FFFFFFF  }
0xcb: {  	_ =	shalt  }
tec
execute0_lowered:
.L_overlay_start_1:
0x0: {  	(tag) =	ssettag $0x1  }
0x1: {  	s1 =	rddreg [dreg:$0x0]  }
0x2: {  	s2 =	rddreg [dreg:$0x1]  }
0x3: {  	s7 =	rddreg [dreg:$0x2];
	s3 =	srdreg.scid  }
0x4: {  	s0 =	stileid.u32;
	s5 =	rddreg [dreg:$0x3]  }
0x5: {  	s4 =	simm.s32 $0x0;
	s6 =	sand.u32 $0x1, s3;
	s3 =	rddreg [dreg:$0x4]  }
0x6: {  	s8 =	sshll.u32 s0, $0x1;
	[smem:$0x7FF] =	sst s4  }
0x7: {  	s31 =	sshll.u32 s0, $0x9;
	s8 =	sor.u32 s6, s8;
	s6 =	ssub.s32 $0x2, s6  }
0x8: {  	_ =	strace $0x80000047;
	s12 =	sand.u32 $0x1800, s31;
	s9 =	sshll.u32 s8, $0x5  }
0x9: {  	s30 =	sshrl.u32 s6, $0x1;
	s8 =	sshll.u32 s8, $0x8;
	v0 =	vmov s12;
	s12 =	simm.s32 $0x80  }
0xa: {  	s10 =	sadd.s32 s9, s5;
	s11 =	ssub.s32 s6, s30;
	s5 =	sadd.s32 s1, s9  }
0xb: {  	s6 =	sadd.s32 s2, s9;
	s13 =	sor.u32 $0x10, s8;
	s14 =	sor.u32 $0x20, s8  }
0xc: {  	s15 =	sor.u32 $0x30, s8;
	s16 =	sor.u32 $0x40, s8;
	s17 =	sor.u32 $0x50, s8  }
0xd: {  	s18 =	sor.u32 $0x60, s8;
	s19 =	sor.u32 $0x70, s8;
	s20 =	sor.u32 $0x80, s8  }
0xe: {  	v16 =	vlaneseq.u32;
	s21 =	sor.u32 $0x90, s8;
	s22 =	sor.u32 $0xA0, s8;
	s23 =	sor.u32 $0xB0, s8  }
0xf: {  	s24 =	sor.u32 $0xC0, s8;
	s25 =	sor.u32 $0xD0, s8;
	s7 =	sadd.s32 s7, s9;
	v4 =	vor.u32 s8, v16  }
0x10: {  	s26 =	sor.u32 $0xE0, s8;
	s28 =	sor.u32 $0xF0, s8;
	v1 =	vor.u32 s13, v16;
	v2 =	vor.u32 s14, v16;
	v3 =	vor.u32 s15, v16;
	s8 =	sadd.s32 $0x1800, s10  }
0x11: {  	s9 =	smax.u32 s11, $0x1;
	v5 =	vor.u32 s16, v16;
	v6 =	vor.u32 s17, v16;
	v7 =	vor.u32 s18, v16;
	s10 =	simm.s32 $0x100;
	s11 =	simm.s32 $0x1  }
0x12: {  	v8 =	vor.u32 s19, v16;
	v9 =	vor.u32 s20, v16;
	v10 =	vor.u32 s21, v16;
	s13 =	simm.s32 $0x200;
	s14 =	simm.s32 $0x280;
	s15 =	simm.s32 $0x300  }
0x13: {  	v11 =	vor.u32 s22, v16;
	v12 =	vor.u32 s23, v16;
	v13 =	vor.u32 s24, v16;
	s16 =	simm.s32 $0x180;
	s17 =	simm.s32 $0x380;
	s18 =	simm.s32 $0x2  }
0x14: {  	v14 =	vor.u32 s25, v16;
	v15 =	vor.u32 s26, v16;
	v16 =	vor.u32 s28, v16;
	s19 =	simm.s32 $0x400;
	s20 =	simm.s32 $0x500;
	s21 =	simm.s32 $0x3  }
.LBB2_1:
0x15: {  	[tilespmem:s4], [sflag:$0x1] =	stream.linear.gather [hbm4b:s5+s4], $0x100, $0x38;
	[tilespmem:$0x600] =	vst v63  }
0x16: {  	_ = 	snop  }
0x17: {  	[tilespmem:s10], [sflag:$0x1] =	stream.linear.gather [hbm4b:s6+s4], $0x100, $0x38;
	[tilespmem:$0x600] =	vst v63  }
0x18: {  	_ =	swait.ge [sflag:s11], $0x100  }
0x19: {  	[sflag:s11] =	ssyncset.done $0x0  }
0x1a: {  	[sflag:s11] =	ssyncadd.s32 $0xFFFFFF00  }
0x1b: {  	[tilespmem:s13], [sflag:$0x2] =	stream.indirect.gather [hbm4b:s2+s12], $0x1, s4, s12, $0xb8;
	[tilespmem:$0x600] =	vst v63  }
0x1c: {  	_ = 	snop  }
0x1d: {  	[tilespmem:s14], [sflag:$0x2] =	stream.indirect.gather [hbm4b:s2+s12], $0x1, s12, s12, $0xb8;
	[tilespmem:$0x600] =	vst v63  }
0x1e: {  	_ =	swait.ge [sflag:s11], $0x100  }
0x1f: {  	[sflag:s11] =	ssyncset.done $0x0  }
0x20: {  	[sflag:s11] =	ssyncadd.s32 $0xFFFFFF00  }
0x21: {  	[tilespmem:s15], [sflag:$0x2] =	stream.indirect.gather [hbm4b:s1+s12], $0x1, s10, s12, $0xb8;
	[tilespmem:$0x600] =	vst v63  }
0x22: {  	_ = 	snop  }
0x23: {  	[tilespmem:s17], [sflag:$0x2] =	stream.indirect.gather [hbm4b:s1+s12], $0x1, s16, s12, $0xb8;
	[tilespmem:$0x600] =	vst v63  }
0x24: {  	_ =	swait.ge [sflag:s18], $0x80  }
0x25: {  	[sflag:s18] =	ssyncset.done $0x0  }
0x26: {  	[sflag:s18] =	ssyncadd.s32 $0xFFFFFF80  }
0x27: {  	_ =	swait.ge [sflag:s18], $0x80  }
0x28: {  	[sflag:s18] =	ssyncset.done $0x0  }
0x29: {  	[sflag:s18] =	ssyncadd.s32 $0xFFFFFF80  }
0x2a: {  	_ =	swait.ge [sflag:s18], $0x80  }
0x2b: {  	[sflag:s18] =	ssyncset.done $0x0  }
0x2c: {  	[sflag:s18] =	ssyncadd.s32 $0xFFFFFF80  }
0x2d: {  	_ =	swait.ge [sflag:s18], $0x80  }
0x2e: {  	[sflag:s18] =	ssyncset.done $0x0  }
0x2f: {  	[sflag:s18] =	ssyncadd.s32 $0xFFFFFF80  }
0x30: {  	v17 =	vld [tilespmem:$0x200]  }
0x31: {  	v18 =	vld [tilespmem:$0x0]  }
0x32: {  	v19 =	vld [tilespmem:$0x300]  }
0x33: {  	v20 =	vld [tilespmem:$0x100]  }
0x34: {  	v21 =	vld [tilespmem:$0x210]  }
0x35: {  	v22 =	vld [tilespmem:$0x10]  }
0x36: {  	v23 =	vld [tilespmem:$0x310]  }
0x37: {  	v24 =	vld [tilespmem:$0x110]  }
0x38: {  	v25 =	vld [tilespmem:$0x220]  }
0x39: {  	v26 =	vld [tilespmem:$0x20]  }
0x3a: {  	v27 =	vld [tilespmem:$0x320]  }
0x3b: {  	v28 =	vld [tilespmem:$0x120]  }
0x3c: {  	v29 =	vld [tilespmem:$0x230]  }
0x3d: {  	v30 =	vld [tilespmem:$0x30]  }
0x3e: {  	v31 =	vld [tilespmem:$0x330]  }
0x3f: {  	v32 =	vld [tilespmem:$0x130]  }
0x40: {  	v33 =	vld [tilespmem:$0x240]  }
0x41: {  	v34 =	vld [tilespmem:$0x40]  }
0x42: {  	v35 =	vld [tilespmem:$0x340]  }
0x43: {  	v36 =	vld [tilespmem:$0x140]  }
0x44: {  	v37 =	vld [tilespmem:$0x250]  }
0x45: {  	v38 =	vld [tilespmem:$0x50]  }
0x46: {  	v39 =	vld [tilespmem:$0x350]  }
0x47: {  	v40 =	vld [tilespmem:$0x150]  }
0x48: {  	v41 =	vld [tilespmem:$0x260]  }
0x49: {  	v42 =	vld [tilespmem:$0x60]  }
0x4a: {  	v43 =	vld [tilespmem:$0x360]  }
0x4b: {  	v44 =	vld [tilespmem:$0x160]  }
0x4c: {  	v45 =	vld [tilespmem:$0x270]  }
0x4d: {  	v46 =	vld [tilespmem:$0x70]  }
0x4e: {  	v47 =	vld [tilespmem:$0x370]  }
0x4f: {  	v48 =	vld [tilespmem:$0x170]  }
0x50: {  	v49 =	vld [tilespmem:$0x280]  }
0x51: {  	v50 =	vld [tilespmem:$0x80]  }
0x52: {  	v51 =	vld [tilespmem:$0x380]  }
0x53: {  	v52 =	vld [tilespmem:$0x180]  }
0x54: {  	v53 =	vld [tilespmem:$0x290];
	vm0 =	veq.s32 v17, v4;
	v17 =	vsub.s32 v18, v0  }
0x55: {  	v56 =	vld [tilespmem:$0x190];
	vm9 =	veq.s32 v19, v4;
	v19 =	vsub.s32 v20, v0;
	vm10 =	veq.s32 v21, v1  }
0x56: {  	v57 =	vld [tilespmem:$0xA0];
	vm11 =	veq.s32 v23, v1;
	vm12 =	veq.s32 v25, v2;
	v17 =	vnsel vm0, $0xFFFFFFFF, v17  }
0x57: {  	v58 =	vld [tilespmem:$0x3A0];
	vm13 =	veq.s32 v27, v2;
	[tilespmem:$0x400] =	vst v17;
	v17 =	vnsel vm9, $0xFFFFFFFF, v19;
	v19 =	vsub.s32 v22, v0  }
0x58: {  	v59 =	vld [tilespmem:$0x1A0];
	vm14 =	veq.s32 v29, v3;
	[tilespmem:$0x500] =	vst v17;
	v17 =	vnsel vm10, $0xFFFFFFFF, v19;
	v19 =	vsub.s32 v24, v0  }
0x59: {  	v60 =	vld [tilespmem:$0x2B0];
	vm15 =	veq.s32 v31, v3;
	[tilespmem:$0x410] =	vst v17;
	v17 =	vnsel vm11, $0xFFFFFFFF, v19;
	v19 =	vsub.s32 v26, v0  }
0x5a: {  	v61 =	vld [tilespmem:$0xB0];
	vm4 =	veq.s32 v33, v5;
	[tilespmem:$0x510] =	vst v17;
	v17 =	vnsel vm12, $0xFFFFFFFF, v19;
	v19 =	vsub.s32 v28, v0  }
0x5b: {  	v62 =	vld [tilespmem:$0x3B0];
	vm5 =	veq.s32 v35, v5;
	[tilespmem:$0x420] =	vst v17;
	v17 =	vnsel vm13, $0xFFFFFFFF, v19;
	v19 =	vsub.s32 v30, v0  }
0x5c: {  	v63 =	vld [tilespmem:$0x1B0];
	vm6 =	veq.s32 v37, v6;
	[tilespmem:$0x520] =	vst v17;
	v17 =	vnsel vm14, $0xFFFFFFFF, v19;
	v19 =	vsub.s32 v32, v0  }
0x5d: {  	v54 =	vld [tilespmem:$0xD0];
	vm7 =	veq.s32 v39, v6;
	[tilespmem:$0x430] =	vst v17;
	v17 =	vnsel vm15, $0xFFFFFFFF, v19;
	v19 =	vsub.s32 v34, v0  }
0x5e: {  	v55 =	vld [tilespmem:$0x3D0];
	vm8 =	veq.s32 v41, v7;
	[tilespmem:$0x530] =	vst v17;
	v17 =	vnsel vm4, $0xFFFFFFFF, v19;
	v19 =	vsub.s32 v36, v0  }
0x5f: {  	v18 =	vld [tilespmem:$0x90];
	vm9 =	veq.s32 v43, v7;
	[tilespmem:$0x440] =	vst v17;
	v17 =	vnsel vm5, $0xFFFFFFFF, v19;
	v19 =	vsub.s32 v38, v0  }
0x60: {  	v20 =	vld [tilespmem:$0x390];
	vm10 =	veq.s32 v45, v8;
	[tilespmem:$0x540] =	vst v17;
	v17 =	vnsel vm6, $0xFFFFFFFF, v19;
	v19 =	vsub.s32 v40, v0  }
0x61: {  	v22 =	vld [tilespmem:$0x2A0];
	vm11 =	veq.s32 v47, v8;
	[tilespmem:$0x450] =	vst v17;
	v17 =	vnsel vm7, $0xFFFFFFFF, v19;
	v19 =	vsub.s32 v42, v0  }
0x62: {  	vm5 =	veq.s32 v58, v11;
	v58 =	vld [tilespmem:$0x3E0];
	[tilespmem:$0x550] =	vst v17;
	v17 =	vnsel vm8, $0xFFFFFFFF, v19;
	v19 =	vsub.s32 v44, v0  }
0x63: {  	vm12 =	veq.s32 v49, v9;
	v40 =	vld [tilespmem:$0x2C0];
	[tilespmem:$0x460] =	vst v17;
	v17 =	vnsel vm9, $0xFFFFFFFF, v19;
	v19 =	vsub.s32 v46, v0  }
0x64: {  	vm6 =	veq.s32 v60, v12;
	v60 =	vld [tilespmem:$0x2F0];
	[tilespmem:$0x560] =	vst v17;
	v17 =	vnsel vm10, $0xFFFFFFFF, v19;
	v19 =	vsub.s32 v48, v0  }
0x65: {  	vm13 =	veq.s32 v51, v9;
	v42 =	vld [tilespmem:$0xC0];
	[tilespmem:$0x470] =	vst v17;
	v17 =	vnsel vm11, $0xFFFFFFFF, v19;
	v19 =	vsub.s32 v50, v0  }
0x66: {  	vm7 =	veq.s32 v62, v12;
	v62 =	vld [tilespmem:$0x3F0];
	[tilespmem:$0x570] =	vst v17;
	v17 =	vnsel vm12, $0xFFFFFFFF, v19;
	v19 =	vsub.s32 v52, v0  }
0x67: {  	v18 =	vsub.s32 v18, v0;
	vm14 =	veq.s32 v53, v10;
	v44 =	vld [tilespmem:$0x3C0];
	[tilespmem:$0x480] =	vst v17;
	v17 =	vnsel vm13, $0xFFFFFFFF, v19  }
0x68: {  	vm15 =	veq.s32 v20, v10;
	v46 =	vld [tilespmem:$0x1C0];
	[tilespmem:$0x580] =	vst v17;
	v17 =	vnsel vm14, $0xFFFFFFFF, v18;
	v18 =	vsub.s32 v56, v0  }
0x69: {  	vm4 =	veq.s32 v22, v11;
	v48 =	vld [tilespmem:$0x2D0];
	[tilespmem:$0x490] =	vst v17;
	v17 =	vnsel vm15, $0xFFFFFFFF, v18;
	v18 =	vsub.s32 v57, v0  }
0x6a: {  	v19 =	vld [tilespmem:$0x1D0];
	[tilespmem:$0x590] =	vst v17;
	v17 =	vnsel vm4, $0xFFFFFFFF, v18;
	v18 =	vsub.s32 v59, v0  }
0x6b: {  	v56 =	vld [tilespmem:$0x2E0];
	[tilespmem:$0x4A0] =	vst v17;
	v17 =	vnsel vm5, $0xFFFFFFFF, v18;
	v18 =	vsub.s32 v61, v0  }
0x6c: {  	v57 =	vld [tilespmem:$0xE0];
	[tilespmem:$0x5A0] =	vst v17;
	v17 =	vnsel vm6, $0xFFFFFFFF, v18;
	v18 =	vsub.s32 v63, v0  }
0x6d: {  	vm8 =	veq.s32 v40, v13;
	v59 =	vld [tilespmem:$0x1E0];
	[tilespmem:$0x4B0] =	vst v17;
	v17 =	vnsel vm7, $0xFFFFFFFF, v18;
	v18 =	vsub.s32 v42, v0  }
0x6e: {  	vm9 =	veq.s32 v44, v13;
	v61 =	vld [tilespmem:$0xF0];
	[tilespmem:$0x5B0] =	vst v17;
	v17 =	vnsel vm8, $0xFFFFFFFF, v18;
	v18 =	vsub.s32 v46, v0  }
0x6f: {  	vm10 =	veq.s32 v48, v14;
	v63 =	vld [tilespmem:$0x1F0];
	[tilespmem:$0x4C0] =	vst v17;
	v17 =	vnsel vm9, $0xFFFFFFFF, v18;
	v18 =	vsub.s32 v54, v0  }
0x70: {  	vm11 =	veq.s32 v55, v14;
	[tilespmem:$0x5C0] =	vst v17;
	v17 =	vnsel vm10, $0xFFFFFFFF, v18;
	v18 =	vsub.s32 v19, v0  }
0x71: {  	vm12 =	veq.s32 v56, v15;
	[tilespmem:$0x4D0] =	vst v17;
	v17 =	vnsel vm11, $0xFFFFFFFF, v18;
	v18 =	vsub.s32 v57, v0  }
0x72: {  	vm13 =	veq.s32 v58, v15;
	[tilespmem:$0x5D0] =	vst v17;
	v17 =	vnsel vm12, $0xFFFFFFFF, v18;
	v18 =	vsub.s32 v59, v0  }
0x73: {  	vm14 =	veq.s32 v60, v16;
	[tilespmem:$0x4E0] =	vst v17;
	v17 =	vnsel vm13, $0xFFFFFFFF, v18;
	v18 =	vsub.s32 v61, v0  }
0x74: {  	vm15 =	veq.s32 v62, v16;
	[tilespmem:$0x5E0] =	vst v17;
	v17 =	vnsel vm14, $0xFFFFFFFF, v18;
	v18 =	vsub.s32 v63, v0  }
0x75: {  	[tilespmem:$0x4F0] =	vst v17;
	v17 =	vnsel vm15, $0xFFFFFFFF, v18  }
0x76: {  	[tilespmem:$0x5F0] =	vst v17  }
0x77: {  	[hbm4b:s7+s4] =	stream.linear.scatter [tilespmem:s19], [sflag:$0x3], $0x100, $0x38;
	[tilespmem:$0x600] =	vst v63  }
0x78: {  	_ = 	snop  }
0x79: {  	[hbm4b:s8+s4] =	stream.linear.scatter [tilespmem:s20], [sflag:$0x3], $0x100, $0x38;
	[tilespmem:$0x600] =	vst v63  }
0x7a: {  	p0 =	sne.s32 s9, $0x1;
	_ =	swait.ge [sflag:s21], $0x100  }
.Ltmp0:
0x7b: {  	[sflag:s21] =	ssyncset.done $0x0;
	(pc) =	sbr.rel @p0 .LBB2_1-.Ltmp0, $4  }
0x7c: {  	[sflag:s21] =	ssyncadd.s32 $0xFFFFFF00  }
0x7d: {  	_ =	swait.ge [sflag:s21], $0x100  }
0x7e: {  	[sflag:s21] =	ssyncset.done $0x0  }
0x7f: {  	s9 =	sadd.s32 $0xFFFFFFFF, s9;
	[sflag:s21] =	ssyncadd.s32 $0xFFFFFF00  }
0x80: {  	_ =	sfence.sel $0x180000  }
0x81: {  	[bflag:$0x0] =	sbarrier.arrive $0xFFFF  }
0x82: {  	p0 =	sne.s32 s0, $0x0;
	_ =	strace $0x90000047  }
0x83: {  	s0 =	sadd.s32 @!p0 $0x100000, s3;
	[bflag:$0x2] =	sbarrier.arrive $0xFFFF  }
0x84: {  	[sflag:s0] =	ssyncadd.tile.s32 @!p0 $0x1;
	_ =	shalt  }
.Lfunc_end2:
_tile_overlayer_lowered:
.L_overlay_start_2:
0x85: {  	(tag) =	ssettag $0x2  }
0x86: {  	s0 =	rddreg [dreg:$0x0];
	s2 =	stileid.u32  }
0x87: {  	s1 =	rddreg [dreg:$0x1];
	p0 =	sne.s32 s2, $0x0  }
0x88: {  	s3 =	rddreg [dreg:$0x2];
	[bflag:$0x3] =	sbarrier.arrive $0xFFFF;
	s2 =	simm.s32 @!p0 $0x1C04  }
0x89: {  	[timem:s3], [sflag:s2] =	dma.local @!p0 [hbm:s0], s1  }
0x8a: {  	s0 =	simm.s32 @!p0 $0x4  }
0x8b: {  	_ =	swait.ge @!p0 [sflag:s0], s1  }
0x8c: {  	s1 =	ssub.s32 @!p0 $0x0, s1;
	[sflag:s0] =	ssyncset.done @!p0 $0x0  }
0x8d: {  	[sflag:s0] =	ssyncadd.s32 @!p0 s1  }
0x8e: {  	[bflag:$0x3] =	sbarrier.arrive $0xFFFF  }
0x8f: {  	_ =	shalt  }

</sc_bundles>
